<compile_context>
chip_gen: v7x
topology: tpu7x:2x2x1
jax: 0.10.2.dev20260603
libtpu: 0.0.44.dev20260713+nightly
codegen_flags: <defaults>
</compile_context>

<pallas_src>
import functools

import jax
import jax.numpy as jnp
from jax import lax
from jax.experimental import pallas as pl
from jax.experimental.pallas import tpu as pltpu
from jax.experimental.pallas import tpu_sc as plsc

NC, NS, L = 2, 16, 16
NW = NC * NS
R, C = 128, 32768
K = 16
HC = C // 2
BR = 32

_MESH = plsc.VectorSubcoreMesh(
    core_axis_name="c", subcore_axis_name="s", num_cores=1, num_subcores=NS
)

_KEY_BASE = 0x3E19999A


def _tc_score_body(x_ref, out_ref):
    i = pl.program_id(0)
    x = x_ref[...]
    s = jnp.sum(x, axis=1)
    q = jnp.sum(x * x, axis=1)
    var = (q - s * s * (1.0 / C)) * (1.0 / (C - 1))
    std = jnp.sqrt(jnp.maximum(var, 0.0))
    realism = jnp.where(
        std < 0.01,
        std * 10.0,
        jnp.where(std > 0.5, 0.5 / std, 1.0 - jnp.abs(std - 0.1)),
    )
    out_ref[pl.ds(i, 1)] = (realism + 0.15).reshape(1, 1, BR)


_score_tc = pl.pallas_call(
    _tc_score_body,
    grid=(R // BR,),
    in_specs=[pl.BlockSpec((BR, C), lambda i: (i, 0))],
    out_specs=pl.BlockSpec((R // BR, 1, BR), lambda i: (0, 0, 0)),
    out_shape=jax.ShapeDtypeStruct((R // BR, 1, BR), jnp.float32),
    compiler_params=pltpu.CompilerParams(dimension_semantics=("arbitrary",)),
)


def _lane_iota():
    return lax.iota(jnp.int32, L)


@functools.partial(
    pl.kernel,
    out_type=(
        jax.ShapeDtypeStruct((K,), jnp.int32),
        jax.ShapeDtypeStruct((K,), jnp.float32),
    ),
    mesh=_MESH,
    scratch_types=[
        pltpu.VMEM((R // BR, 1, BR), jnp.float32),
        pltpu.VMEM((K,), jnp.int32),
        pltpu.VMEM((K,), jnp.float32),
    ],
    compiler_params=pltpu.CompilerParams(needs_layout_passes=False),
)
def _topk_stage(scores_hbm, oidx_hbm, oscores_hbm, sraw, tidx, tsc):
    wid = lax.axis_index("s")
    lane = _lane_iota()

    pltpu.sync_copy(scores_hbm, sraw)

    keys = []
    for v in range(8):
        jv = lane + (16 * v)
        sv = plsc.load_gather(
            sraw,
            [
                lax.shift_right_arithmetic(jv, jnp.full((L,), 5, jnp.int32)),
                jnp.full((L,), 0, jnp.int32),
                lax.bitwise_and(jv, jnp.full((L,), BR - 1, jnp.int32)),
            ],
        )
        bits = lax.bitcast_convert_type(sv, jnp.uint32)
        kv = lax.bitwise_or(
            lax.shift_left(bits - jnp.full((L,), _KEY_BASE, jnp.uint32),
                           jnp.full((L,), 7, jnp.uint32)),
            lax.bitcast_convert_type(jnp.full((L,), 127, jnp.int32) - jv,
                                     jnp.uint32),
        )
        ks, _ = plsc.sort_key_val(kv, kv, descending=True)
        keys.append(ks)

    def merge(ka, kb):
        kr = lax.rev(kb, (0,))
        kk = jnp.where(ka >= kr, ka, kr)
        ks, _ = plsc.sort_key_val(kk, kk, descending=True)
        return ks

    while len(keys) > 1:
        keys = [merge(keys[i], keys[i + 1]) for i in range(0, len(keys), 2)]
    top_keys = keys[0]

    @pl.when(wid == 0)
    def _():
        rows = jnp.full((L,), 127, jnp.int32) - lax.bitcast_convert_type(
            lax.bitwise_and(top_keys, jnp.full((L,), 127, jnp.uint32)),
            jnp.int32,
        )
        sbits = lax.shift_right_logical(
            top_keys, jnp.full((L,), 7, jnp.uint32)
        ) + jnp.full((L,), _KEY_BASE, jnp.uint32)
        tidx[...] = rows
        tsc[...] = lax.bitcast_convert_type(sbits, jnp.float32)
        pltpu.sync_copy(tidx, oidx_hbm)
        pltpu.sync_copy(tsc, oscores_hbm)


def _tc_gather_body(idx_ref, x_hbm, o_hbm, buf, semI, semO):
    ins = [
        pltpu.make_async_copy(
            x_hbm.at[pl.ds(idx_ref[i], 1)], buf.at[pl.ds(i, 1)], semI.at[i]
        )
        for i in range(K)
    ]
    outs = [
        pltpu.make_async_copy(buf.at[pl.ds(i, 1)], o_hbm.at[pl.ds(i, 1)], semO)
        for i in range(K)
    ]
    for cp in ins:
        cp.start()
    for i in range(K):
        ins[i].wait()
        outs[i].start()
    for cp in outs:
        cp.wait()


_gather_tc = pl.pallas_call(
    _tc_gather_body,
    grid_spec=pltpu.PrefetchScalarGridSpec(
        num_scalar_prefetch=1,
        grid=(1,),
        in_specs=[pl.BlockSpec(memory_space=pl.ANY)],
        out_specs=pl.BlockSpec(memory_space=pl.ANY),
        scratch_shapes=[
            pltpu.VMEM((K, C), jnp.float32),
            pltpu.SemaphoreType.DMA((K,)),
            pltpu.SemaphoreType.DMA,
        ],
    ),
    out_shape=jax.ShapeDtypeStruct((K, C), jnp.float32),
)


def kernel(chunks, regime_probs, keep_top_k):
    del regime_probs, keep_top_k
    scores = _score_tc(chunks)
    top_idx, top_scores = _topk_stage(scores)
    pruned = _gather_tc(top_idx, chunks)
    return (pruned, top_scores)

# --- scband reference (transcript-rebuilt; emitter-appended) ---
"""Pipeline reference for scband-chunk-ranker-22978075034013 (READ-ONLY COPY).

The authoritative reference and input builder live on the scoring server;
editing this copy changes nothing except your own understanding.
"""

import jax, jax.numpy as jnp
import numpy as np

def setup_inputs(seed: int = 0) -> dict:
    key = jax.random.key(seed)
    k1, k2 = jax.random.split(key)
    chunks = jax.random.normal(k1, (128, 32768), dtype=jnp.float32) * 0.2
    regime_probs = jax.random.uniform(k2, (9,), dtype=jnp.float32)
    return {"chunks": chunks, "regime_probs": regime_probs, "keep_top_k": 16}

def reference(chunks, regime_probs, keep_top_k):
    # score_chunks, vectorized over the candidate axis (faithful math, no previous_context)
    # torch .std() default is unbiased (ddof=1)
    chunk_std = jnp.std(chunks, axis=1, ddof=1)
    # _realism_score branching
    realism = jnp.where(
        chunk_std < 0.01,
        chunk_std * 10.0,
        jnp.where(chunk_std > 0.5, 0.5 / chunk_std, 1.0 - jnp.abs(chunk_std - 0.1)),
    )
    regime_consistency = 0.5  # _regime_consistency is constant
    boundary = 0.0            # previous_context is None
    scores = realism + 0.3 * regime_consistency + 0.2 * boundary
    # prune_branches: top-k by score, then gather chunks
    top_scores, top_idx = jax.lax.top_k(scores, 16)
    top_scores = top_scores + 0.0 * jnp.asarray(keep_top_k, dtype=top_scores.dtype)
    pruned_chunks = jnp.take(chunks, top_idx, axis=0)
    return (pruned_chunks, top_scores)

if __name__ == "__main__":
    import jax
    _d = setup_inputs()
    print(jax.jit(kernel)(*tuple(_d.values())))

</pallas_src>

<mosaic_0001>
#map = affine_map<(d0, d1) -> (0, 0, 0)>
#map1 = affine_map<(d0, d1) -> (0)>
module attributes {stable_mosaic.version = 14 : i64} {
  func.func @_topk_stage(%arg0: i32, %arg1: i32, %arg2: memref<4x1x32xf32, #tpu.memory_space<hbm>>, %arg3: memref<16xi32, #tpu.memory_space<hbm>>, %arg4: memref<16xf32, #tpu.memory_space<hbm>>, %arg5: memref<4x1x32xf32, #tpu.memory_space<vmem>>, %arg6: memref<16xi32, #tpu.memory_space<vmem>>, %arg7: memref<16xf32, #tpu.memory_space<vmem>>) attributes {dimension_semantics = [#tpu.dimension_semantics<core_parallel>, #tpu.dimension_semantics<subcore_parallel>], iteration_bounds = array<i64: 1, 16>, scalar_prefetch = 0 : i64, scratch_operands = 3 : i64, tpu.core_type = #tpu.core_type<sc_vector_subcore>, window_params = [{transform_indices = #map}, {transform_indices = #map1}, {transform_indices = #map1}]} {
    %iota3A = tpu.iota {dimensions = array<i32: 0>} : vector<16xi32>
    "tpu.region"() ({
      %run_scoped3A = tpu.sem_alloc : memref<!tpu.dma_semaphore, #tpu.memory_space<semaphore_mem>>
      tpu.enqueue_dma source(%arg2 : memref<4x1x32xf32, #tpu.memory_space<hbm>>) target(%arg5 : memref<4x1x32xf32, #tpu.memory_space<vmem>>) target_semaphore(%run_scoped3A : memref<!tpu.dma_semaphore, #tpu.memory_space<semaphore_mem>>)
      tpu.wait_dma2 semaphore(%run_scoped3A : memref<!tpu.dma_semaphore, #tpu.memory_space<semaphore_mem>>) src(%arg2 : memref<4x1x32xf32, #tpu.memory_space<hbm>>) dst(%arg5 : memref<4x1x32xf32, #tpu.memory_space<vmem>>)
      tpu.yield
    }) : () -> ()
    %add3A = arith.constant 0 : i32
    %add3A_0 = vector.broadcast %add3A : i32 to vector<16xi32>
    %add3A_1 = arith.addi %iota3A, %add3A_0 : vector<16xi32>
    %broadcast_in_dim3A = arith.constant 5 : i32
    %broadcast_in_dim3A_2 = vector.broadcast %broadcast_in_dim3A : i32 to vector<16xi32>
    %shift_right_arithmetic3A = arith.shrsi %add3A_1, %broadcast_in_dim3A_2 : vector<16xi32>
    %broadcast_in_dim3A_3 = arith.constant 0 : i32
    %broadcast_in_dim3A_4 = vector.broadcast %broadcast_in_dim3A_3 : i32 to vector<16xi32>
    %broadcast_in_dim3A_5 = arith.constant 31 : i32
    %broadcast_in_dim3A_6 = vector.broadcast %broadcast_in_dim3A_5 : i32 to vector<16xi32>
    %and3A = arith.andi %add3A_1, %broadcast_in_dim3A_6 : vector<16xi32>
    %gather3A = tpu.vector_load_idx %arg5[%shift_right_arithmetic3A, %broadcast_in_dim3A_4, %and3A] : memref<4x1x32xf32, #tpu.memory_space<vmem>>[vector<16xi32>, vector<16xi32>, vector<16xi32>], vector<16xf32>,
    %bitcast_convert_type3A = tpu.bitcast %gather3A : vector<16xf32> -> vector<16xi32>
    %broadcast_in_dim3A_7 = arith.constant 1041865114 : i32
    %broadcast_in_dim3A_8 = vector.broadcast %broadcast_in_dim3A_7 : i32 to vector<16xi32>
    %sub3A = arith.subi %bitcast_convert_type3A, %broadcast_in_dim3A_8 : vector<16xi32>
    %broadcast_in_dim3A_9 = arith.constant 7 : i32
    %broadcast_in_dim3A_10 = vector.broadcast %broadcast_in_dim3A_9 : i32 to vector<16xi32>
    %shift_left3A = arith.shli %sub3A, %broadcast_in_dim3A_10 : vector<16xi32>
    %broadcast_in_dim3A_11 = arith.constant 127 : i32
    %broadcast_in_dim3A_12 = vector.broadcast %broadcast_in_dim3A_11 : i32 to vector<16xi32>
    %sub3A_13 = arith.subi %broadcast_in_dim3A_12, %add3A_1 : vector<16xi32>
    %bitcast_convert_type3A_14 = tpu.bitcast %sub3A_13 : vector<16xi32> -> vector<16xi32>
    %or3A = arith.ori %shift_left3A, %bitcast_convert_type3A_14 : vector<16xi32>
    %masked_sort3A = arith.constant dense<true> : vector<16xi1>
    %masked_sort3A_15, %masked_sort3A_16, %masked_sort3A_17 = tpu.sort %or3A, %or3A masked %masked_sort3A {descending = true} : (vector<16xi32>, vector<16xi32>, vector<16xi1>) -> (vector<16xi1>, vector<16xi32>, vector<16xi32>)
    %add3A_18 = arith.constant 16 : i32
    %add3A_19 = vector.broadcast %add3A_18 : i32 to vector<16xi32>
    %add3A_20 = arith.addi %iota3A, %add3A_19 : vector<16xi32>
    %broadcast_in_dim3A_21 = arith.constant 5 : i32
    %broadcast_in_dim3A_22 = vector.broadcast %broadcast_in_dim3A_21 : i32 to vector<16xi32>
    %shift_right_arithmetic3A_23 = arith.shrsi %add3A_20, %broadcast_in_dim3A_22 : vector<16xi32>
    %broadcast_in_dim3A_24 = arith.constant 0 : i32
    %broadcast_in_dim3A_25 = vector.broadcast %broadcast_in_dim3A_24 : i32 to vector<16xi32>
    %broadcast_in_dim3A_26 = arith.constant 31 : i32
    %broadcast_in_dim3A_27 = vector.broadcast %broadcast_in_dim3A_26 : i32 to vector<16xi32>
    %and3A_28 = arith.andi %add3A_20, %broadcast_in_dim3A_27 : vector<16xi32>
    %gather3A_29 = tpu.vector_load_idx %arg5[%shift_right_arithmetic3A_23, %broadcast_in_dim3A_25, %and3A_28] : memref<4x1x32xf32, #tpu.memory_space<vmem>>[vector<16xi32>, vector<16xi32>, vector<16xi32>], vector<16xf32>,
    %bitcast_convert_type3A_30 = tpu.bitcast %gather3A_29 : vector<16xf32> -> vector<16xi32>
    %broadcast_in_dim3A_31 = arith.constant 1041865114 : i32
    %broadcast_in_dim3A_32 = vector.broadcast %broadcast_in_dim3A_31 : i32 to vector<16xi32>
    %sub3A_33 = arith.subi %bitcast_convert_type3A_30, %broadcast_in_dim3A_32 : vector<16xi32>
    %broadcast_in_dim3A_34 = arith.constant 7 : i32
    %broadcast_in_dim3A_35 = vector.broadcast %broadcast_in_dim3A_34 : i32 to vector<16xi32>
    %shift_left3A_36 = arith.shli %sub3A_33, %broadcast_in_dim3A_35 : vector<16xi32>
    %broadcast_in_dim3A_37 = arith.constant 127 : i32
    %broadcast_in_dim3A_38 = vector.broadcast %broadcast_in_dim3A_37 : i32 to vector<16xi32>
    %sub3A_39 = arith.subi %broadcast_in_dim3A_38, %add3A_20 : vector<16xi32>
    %bitcast_convert_type3A_40 = tpu.bitcast %sub3A_39 : vector<16xi32> -> vector<16xi32>
    %or3A_41 = arith.ori %shift_left3A_36, %bitcast_convert_type3A_40 : vector<16xi32>
    %masked_sort3A_42 = arith.constant dense<true> : vector<16xi1>
    %masked_sort3A_43, %masked_sort3A_44, %masked_sort3A_45 = tpu.sort %or3A_41, %or3A_41 masked %masked_sort3A_42 {descending = true} : (vector<16xi32>, vector<16xi32>, vector<16xi1>) -> (vector<16xi1>, vector<16xi32>, vector<16xi32>)
    %add3A_46 = arith.constant 32 : i32
    %add3A_47 = vector.broadcast %add3A_46 : i32 to vector<16xi32>
    %add3A_48 = arith.addi %iota3A, %add3A_47 : vector<16xi32>
    %broadcast_in_dim3A_49 = arith.constant 5 : i32
    %broadcast_in_dim3A_50 = vector.broadcast %broadcast_in_dim3A_49 : i32 to vector<16xi32>
    %shift_right_arithmetic3A_51 = arith.shrsi %add3A_48, %broadcast_in_dim3A_50 : vector<16xi32>
    %broadcast_in_dim3A_52 = arith.constant 0 : i32
    %broadcast_in_dim3A_53 = vector.broadcast %broadcast_in_dim3A_52 : i32 to vector<16xi32>
    %broadcast_in_dim3A_54 = arith.constant 31 : i32
    %broadcast_in_dim3A_55 = vector.broadcast %broadcast_in_dim3A_54 : i32 to vector<16xi32>
    %and3A_56 = arith.andi %add3A_48, %broadcast_in_dim3A_55 : vector<16xi32>
    %gather3A_57 = tpu.vector_load_idx %arg5[%shift_right_arithmetic3A_51, %broadcast_in_dim3A_53, %and3A_56] : memref<4x1x32xf32, #tpu.memory_space<vmem>>[vector<16xi32>, vector<16xi32>, vector<16xi32>], vector<16xf32>,
    %bitcast_convert_type3A_58 = tpu.bitcast %gather3A_57 : vector<16xf32> -> vector<16xi32>
    %broadcast_in_dim3A_59 = arith.constant 1041865114 : i32
    %broadcast_in_dim3A_60 = vector.broadcast %broadcast_in_dim3A_59 : i32 to vector<16xi32>
    %sub3A_61 = arith.subi %bitcast_convert_type3A_58, %broadcast_in_dim3A_60 : vector<16xi32>
    %broadcast_in_dim3A_62 = arith.constant 7 : i32
    %broadcast_in_dim3A_63 = vector.broadcast %broadcast_in_dim3A_62 : i32 to vector<16xi32>
    %shift_left3A_64 = arith.shli %sub3A_61, %broadcast_in_dim3A_63 : vector<16xi32>
    %broadcast_in_dim3A_65 = arith.constant 127 : i32
    %broadcast_in_dim3A_66 = vector.broadcast %broadcast_in_dim3A_65 : i32 to vector<16xi32>
    %sub3A_67 = arith.subi %broadcast_in_dim3A_66, %add3A_48 : vector<16xi32>
    %bitcast_convert_type3A_68 = tpu.bitcast %sub3A_67 : vector<16xi32> -> vector<16xi32>
    %or3A_69 = arith.ori %shift_left3A_64, %bitcast_convert_type3A_68 : vector<16xi32>
    %masked_sort3A_70 = arith.constant dense<true> : vector<16xi1>
    %masked_sort3A_71, %masked_sort3A_72, %masked_sort3A_73 = tpu.sort %or3A_69, %or3A_69 masked %masked_sort3A_70 {descending = true} : (vector<16xi32>, vector<16xi32>, vector<16xi1>) -> (vector<16xi1>, vector<16xi32>, vector<16xi32>)
    %add3A_74 = arith.constant 48 : i32
    %add3A_75 = vector.broadcast %add3A_74 : i32 to vector<16xi32>
    %add3A_76 = arith.addi %iota3A, %add3A_75 : vector<16xi32>
    %broadcast_in_dim3A_77 = arith.constant 5 : i32
    %broadcast_in_dim3A_78 = vector.broadcast %broadcast_in_dim3A_77 : i32 to vector<16xi32>
    %shift_right_arithmetic3A_79 = arith.shrsi %add3A_76, %broadcast_in_dim3A_78 : vector<16xi32>
    %broadcast_in_dim3A_80 = arith.constant 0 : i32
    %broadcast_in_dim3A_81 = vector.broadcast %broadcast_in_dim3A_80 : i32 to vector<16xi32>
    %broadcast_in_dim3A_82 = arith.constant 31 : i32
    %broadcast_in_dim3A_83 = vector.broadcast %broadcast_in_dim3A_82 : i32 to vector<16xi32>
    %and3A_84 = arith.andi %add3A_76, %broadcast_in_dim3A_83 : vector<16xi32>
    %gather3A_85 = tpu.vector_load_idx %arg5[%shift_right_arithmetic3A_79, %broadcast_in_dim3A_81, %and3A_84] : memref<4x1x32xf32, #tpu.memory_space<vmem>>[vector<16xi32>, vector<16xi32>, vector<16xi32>], vector<16xf32>,
    %bitcast_convert_type3A_86 = tpu.bitcast %gather3A_85 : vector<16xf32> -> vector<16xi32>
    %broadcast_in_dim3A_87 = arith.constant 1041865114 : i32
    %broadcast_in_dim3A_88 = vector.broadcast %broadcast_in_dim3A_87 : i32 to vector<16xi32>
    %sub3A_89 = arith.subi %bitcast_convert_type3A_86, %broadcast_in_dim3A_88 : vector<16xi32>
    %broadcast_in_dim3A_90 = arith.constant 7 : i32
    %broadcast_in_dim3A_91 = vector.broadcast %broadcast_in_dim3A_90 : i32 to vector<16xi32>
    %shift_left3A_92 = arith.shli %sub3A_89, %broadcast_in_dim3A_91 : vector<16xi32>
    %broadcast_in_dim3A_93 = arith.constant 127 : i32
    %broadcast_in_dim3A_94 = vector.broadcast %broadcast_in_dim3A_93 : i32 to vector<16xi32>
    %sub3A_95 = arith.subi %broadcast_in_dim3A_94, %add3A_76 : vector<16xi32>
    %bitcast_convert_type3A_96 = tpu.bitcast %sub3A_95 : vector<16xi32> -> vector<16xi32>
    %or3A_97 = arith.ori %shift_left3A_92, %bitcast_convert_type3A_96 : vector<16xi32>
    %masked_sort3A_98 = arith.constant dense<true> : vector<16xi1>
    %masked_sort3A_99, %masked_sort3A_100, %masked_sort3A_101 = tpu.sort %or3A_97, %or3A_97 masked %masked_sort3A_98 {descending = true} : (vector<16xi32>, vector<16xi32>, vector<16xi1>) -> (vector<16xi1>, vector<16xi32>, vector<16xi32>)
    %add3A_102 = arith.constant 64 : i32
    %add3A_103 = vector.broadcast %add3A_102 : i32 to vector<16xi32>
    %add3A_104 = arith.addi %iota3A, %add3A_103 : vector<16xi32>
    %broadcast_in_dim3A_105 = arith.constant 5 : i32
    %broadcast_in_dim3A_106 = vector.broadcast %broadcast_in_dim3A_105 : i32 to vector<16xi32>
    %shift_right_arithmetic3A_107 = arith.shrsi %add3A_104, %broadcast_in_dim3A_106 : vector<16xi32>
    %broadcast_in_dim3A_108 = arith.constant 0 : i32
    %broadcast_in_dim3A_109 = vector.broadcast %broadcast_in_dim3A_108 : i32 to vector<16xi32>
    %broadcast_in_dim3A_110 = arith.constant 31 : i32
    %broadcast_in_dim3A_111 = vector.broadcast %broadcast_in_dim3A_110 : i32 to vector<16xi32>
    %and3A_112 = arith.andi %add3A_104, %broadcast_in_dim3A_111 : vector<16xi32>
    %gather3A_113 = tpu.vector_load_idx %arg5[%shift_right_arithmetic3A_107, %broadcast_in_dim3A_109, %and3A_112] : memref<4x1x32xf32, #tpu.memory_space<vmem>>[vector<16xi32>, vector<16xi32>, vector<16xi32>], vector<16xf32>,
    %bitcast_convert_type3A_114 = tpu.bitcast %gather3A_113 : vector<16xf32> -> vector<16xi32>
    %broadcast_in_dim3A_115 = arith.constant 1041865114 : i32
    %broadcast_in_dim3A_116 = vector.broadcast %broadcast_in_dim3A_115 : i32 to vector<16xi32>
    %sub3A_117 = arith.subi %bitcast_convert_type3A_114, %broadcast_in_dim3A_116 : vector<16xi32>
    %broadcast_in_dim3A_118 = arith.constant 7 : i32
    %broadcast_in_dim3A_119 = vector.broadcast %broadcast_in_dim3A_118 : i32 to vector<16xi32>
    %shift_left3A_120 = arith.shli %sub3A_117, %broadcast_in_dim3A_119 : vector<16xi32>
    %broadcast_in_dim3A_121 = arith.constant 127 : i32
    %broadcast_in_dim3A_122 = vector.broadcast %broadcast_in_dim3A_121 : i32 to vector<16xi32>
    %sub3A_123 = arith.subi %broadcast_in_dim3A_122, %add3A_104 : vector<16xi32>
    %bitcast_convert_type3A_124 = tpu.bitcast %sub3A_123 : vector<16xi32> -> vector<16xi32>
    %or3A_125 = arith.ori %shift_left3A_120, %bitcast_convert_type3A_124 : vector<16xi32>
    %masked_sort3A_126 = arith.constant dense<true> : vector<16xi1>
    %masked_sort3A_127, %masked_sort3A_128, %masked_sort3A_129 = tpu.sort %or3A_125, %or3A_125 masked %masked_sort3A_126 {descending = true} : (vector<16xi32>, vector<16xi32>, vector<16xi1>) -> (vector<16xi1>, vector<16xi32>, vector<16xi32>)
    %add3A_130 = arith.constant 80 : i32
    %add3A_131 = vector.broadcast %add3A_130 : i32 to vector<16xi32>
    %add3A_132 = arith.addi %iota3A, %add3A_131 : vector<16xi32>
    %broadcast_in_dim3A_133 = arith.constant 5 : i32
    %broadcast_in_dim3A_134 = vector.broadcast %broadcast_in_dim3A_133 : i32 to vector<16xi32>
    %shift_right_arithmetic3A_135 = arith.shrsi %add3A_132, %broadcast_in_dim3A_134 : vector<16xi32>
    %broadcast_in_dim3A_136 = arith.constant 0 : i32
    %broadcast_in_dim3A_137 = vector.broadcast %broadcast_in_dim3A_136 : i32 to vector<16xi32>
    %broadcast_in_dim3A_138 = arith.constant 31 : i32
    %broadcast_in_dim3A_139 = vector.broadcast %broadcast_in_dim3A_138 : i32 to vector<16xi32>
    %and3A_140 = arith.andi %add3A_132, %broadcast_in_dim3A_139 : vector<16xi32>
    %gather3A_141 = tpu.vector_load_idx %arg5[%shift_right_arithmetic3A_135, %broadcast_in_dim3A_137, %and3A_140] : memref<4x1x32xf32, #tpu.memory_space<vmem>>[vector<16xi32>, vector<16xi32>, vector<16xi32>], vector<16xf32>,
    %bitcast_convert_type3A_142 = tpu.bitcast %gather3A_141 : vector<16xf32> -> vector<16xi32>
    %broadcast_in_dim3A_143 = arith.constant 1041865114 : i32
    %broadcast_in_dim3A_144 = vector.broadcast %broadcast_in_dim3A_143 : i32 to vector<16xi32>
    %sub3A_145 = arith.subi %bitcast_convert_type3A_142, %broadcast_in_dim3A_144 : vector<16xi32>
    %broadcast_in_dim3A_146 = arith.constant 7 : i32
    %broadcast_in_dim3A_147 = vector.broadcast %broadcast_in_dim3A_146 : i32 to vector<16xi32>
    %shift_left3A_148 = arith.shli %sub3A_145, %broadcast_in_dim3A_147 : vector<16xi32>
    %broadcast_in_dim3A_149 = arith.constant 127 : i32
    %broadcast_in_dim3A_150 = vector.broadcast %broadcast_in_dim3A_149 : i32 to vector<16xi32>
    %sub3A_151 = arith.subi %broadcast_in_dim3A_150, %add3A_132 : vector<16xi32>
    %bitcast_convert_type3A_152 = tpu.bitcast %sub3A_151 : vector<16xi32> -> vector<16xi32>
    %or3A_153 = arith.ori %shift_left3A_148, %bitcast_convert_type3A_152 : vector<16xi32>
    %masked_sort3A_154 = arith.constant dense<true> : vector<16xi1>
    %masked_sort3A_155, %masked_sort3A_156, %masked_sort3A_157 = tpu.sort %or3A_153, %or3A_153 masked %masked_sort3A_154 {descending = true} : (vector<16xi32>, vector<16xi32>, vector<16xi1>) -> (vector<16xi1>, vector<16xi32>, vector<16xi32>)
    %add3A_158 = arith.constant 96 : i32
    %add3A_159 = vector.broadcast %add3A_158 : i32 to vector<16xi32>
    %add3A_160 = arith.addi %iota3A, %add3A_159 : vector<16xi32>
    %broadcast_in_dim3A_161 = arith.constant 5 : i32
    %broadcast_in_dim3A_162 = vector.broadcast %broadcast_in_dim3A_161 : i32 to vector<16xi32>
    %shift_right_arithmetic3A_163 = arith.shrsi %add3A_160, %broadcast_in_dim3A_162 : vector<16xi32>
    %broadcast_in_dim3A_164 = arith.constant 0 : i32
    %broadcast_in_dim3A_165 = vector.broadcast %broadcast_in_dim3A_164 : i32 to vector<16xi32>
    %broadcast_in_dim3A_166 = arith.constant 31 : i32
    %broadcast_in_dim3A_167 = vector.broadcast %broadcast_in_dim3A_166 : i32 to vector<16xi32>
    %and3A_168 = arith.andi %add3A_160, %broadcast_in_dim3A_167 : vector<16xi32>
    %gather3A_169 = tpu.vector_load_idx %arg5[%shift_right_arithmetic3A_163, %broadcast_in_dim3A_165, %and3A_168] : memref<4x1x32xf32, #tpu.memory_space<vmem>>[vector<16xi32>, vector<16xi32>, vector<16xi32>], vector<16xf32>,
    %bitcast_convert_type3A_170 = tpu.bitcast %gather3A_169 : vector<16xf32> -> vector<16xi32>
    %broadcast_in_dim3A_171 = arith.constant 1041865114 : i32
    %broadcast_in_dim3A_172 = vector.broadcast %broadcast_in_dim3A_171 : i32 to vector<16xi32>
    %sub3A_173 = arith.subi %bitcast_convert_type3A_170, %broadcast_in_dim3A_172 : vector<16xi32>
    %broadcast_in_dim3A_174 = arith.constant 7 : i32
    %broadcast_in_dim3A_175 = vector.broadcast %broadcast_in_dim3A_174 : i32 to vector<16xi32>
    %shift_left3A_176 = arith.shli %sub3A_173, %broadcast_in_dim3A_175 : vector<16xi32>
    %broadcast_in_dim3A_177 = arith.constant 127 : i32
    %broadcast_in_dim3A_178 = vector.broadcast %broadcast_in_dim3A_177 : i32 to vector<16xi32>
    %sub3A_179 = arith.subi %broadcast_in_dim3A_178, %add3A_160 : vector<16xi32>
    %bitcast_convert_type3A_180 = tpu.bitcast %sub3A_179 : vector<16xi32> -> vector<16xi32>
    %or3A_181 = arith.ori %shift_left3A_176, %bitcast_convert_type3A_180 : vector<16xi32>
    %masked_sort3A_182 = arith.constant dense<true> : vector<16xi1>
    %masked_sort3A_183, %masked_sort3A_184, %masked_sort3A_185 = tpu.sort %or3A_181, %or3A_181 masked %masked_sort3A_182 {descending = true} : (vector<16xi32>, vector<16xi32>, vector<16xi1>) -> (vector<16xi1>, vector<16xi32>, vector<16xi32>)
    %add3A_186 = arith.constant 112 : i32
    %add3A_187 = vector.broadcast %add3A_186 : i32 to vector<16xi32>
    %add3A_188 = arith.addi %iota3A, %add3A_187 : vector<16xi32>
    %broadcast_in_dim3A_189 = arith.constant 5 : i32
    %broadcast_in_dim3A_190 = vector.broadcast %broadcast_in_dim3A_189 : i32 to vector<16xi32>
    %shift_right_arithmetic3A_191 = arith.shrsi %add3A_188, %broadcast_in_dim3A_190 : vector<16xi32>
    %broadcast_in_dim3A_192 = arith.constant 0 : i32
    %broadcast_in_dim3A_193 = vector.broadcast %broadcast_in_dim3A_192 : i32 to vector<16xi32>
    %broadcast_in_dim3A_194 = arith.constant 31 : i32
    %broadcast_in_dim3A_195 = vector.broadcast %broadcast_in_dim3A_194 : i32 to vector<16xi32>
    %and3A_196 = arith.andi %add3A_188, %broadcast_in_dim3A_195 : vector<16xi32>
    %gather3A_197 = tpu.vector_load_idx %arg5[%shift_right_arithmetic3A_191, %broadcast_in_dim3A_193, %and3A_196] : memref<4x1x32xf32, #tpu.memory_space<vmem>>[vector<16xi32>, vector<16xi32>, vector<16xi32>], vector<16xf32>,
    %bitcast_convert_type3A_198 = tpu.bitcast %gather3A_197 : vector<16xf32> -> vector<16xi32>
    %broadcast_in_dim3A_199 = arith.constant 1041865114 : i32
    %broadcast_in_dim3A_200 = vector.broadcast %broadcast_in_dim3A_199 : i32 to vector<16xi32>
    %sub3A_201 = arith.subi %bitcast_convert_type3A_198, %broadcast_in_dim3A_200 : vector<16xi32>
    %broadcast_in_dim3A_202 = arith.constant 7 : i32
    %broadcast_in_dim3A_203 = vector.broadcast %broadcast_in_dim3A_202 : i32 to vector<16xi32>
    %shift_left3A_204 = arith.shli %sub3A_201, %broadcast_in_dim3A_203 : vector<16xi32>
    %broadcast_in_dim3A_205 = arith.constant 127 : i32
    %broadcast_in_dim3A_206 = vector.broadcast %broadcast_in_dim3A_205 : i32 to vector<16xi32>
    %sub3A_207 = arith.subi %broadcast_in_dim3A_206, %add3A_188 : vector<16xi32>
    %bitcast_convert_type3A_208 = tpu.bitcast %sub3A_207 : vector<16xi32> -> vector<16xi32>
    %or3A_209 = arith.ori %shift_left3A_204, %bitcast_convert_type3A_208 : vector<16xi32>
    %masked_sort3A_210 = arith.constant dense<true> : vector<16xi1>
    %masked_sort3A_211, %masked_sort3A_212, %masked_sort3A_213 = tpu.sort %or3A_209, %or3A_209 masked %masked_sort3A_210 {descending = true} : (vector<16xi32>, vector<16xi32>, vector<16xi1>) -> (vector<16xi1>, vector<16xi32>, vector<16xi32>)
    %rev3A = arith.constant 15 : i32
    %rev3A_214 = vector.broadcast %rev3A : i32 to vector<16xi32>
    %rev3A_215 = tpu.iota {dimensions = array<i32: 0>} : vector<16xi32>
    %rev3A_216 = arith.subi %rev3A_214, %rev3A_215 : vector<16xi32>
    %rev3A_217 = tpu.dynamic_gather %masked_sort3A_44[%rev3A_216] in [0] : vector<16xi32>, vector<16xi32> -> vector<16xi32>
    %ge3A = arith.cmpi uge, %masked_sort3A_16, %rev3A_217 : vector<16xi32>
    %select_n3A = arith.select %ge3A, %masked_sort3A_16, %rev3A_217 : vector<16xi1>, vector<16xi32>
    %masked_sort3A_218 = arith.constant dense<true> : vector<16xi1>
    %masked_sort3A_219, %masked_sort3A_220, %masked_sort3A_221 = tpu.sort %select_n3A, %select_n3A masked %masked_sort3A_218 {descending = true} : (vector<16xi32>, vector<16xi32>, vector<16xi1>) -> (vector<16xi1>, vector<16xi32>, vector<16xi32>)
    %rev3A_222 = arith.constant 15 : i32
    %rev3A_223 = vector.broadcast %rev3A_222 : i32 to vector<16xi32>
    %rev3A_224 = tpu.iota {dimensions = array<i32: 0>} : vector<16xi32>
    %rev3A_225 = arith.subi %rev3A_223, %rev3A_224 : vector<16xi32>
    %rev3A_226 = tpu.dynamic_gather %masked_sort3A_100[%rev3A_225] in [0] : vector<16xi32>, vector<16xi32> -> vector<16xi32>
    %ge3A_227 = arith.cmpi uge, %masked_sort3A_72, %rev3A_226 : vector<16xi32>
    %select_n3A_228 = arith.select %ge3A_227, %masked_sort3A_72, %rev3A_226 : vector<16xi1>, vector<16xi32>
    %masked_sort3A_229 = arith.constant dense<true> : vector<16xi1>
    %masked_sort3A_230, %masked_sort3A_231, %masked_sort3A_232 = tpu.sort %select_n3A_228, %select_n3A_228 masked %masked_sort3A_229 {descending = true} : (vector<16xi32>, vector<16xi32>, vector<16xi1>) -> (vector<16xi1>, vector<16xi32>, vector<16xi32>)
    %rev3A_233 = arith.constant 15 : i32
    %rev3A_234 = vector.broadcast %rev3A_233 : i32 to vector<16xi32>
    %rev3A_235 = tpu.iota {dimensions = array<i32: 0>} : vector<16xi32>
    %rev3A_236 = arith.subi %rev3A_234, %rev3A_235 : vector<16xi32>
    %rev3A_237 = tpu.dynamic_gather %masked_sort3A_156[%rev3A_236] in [0] : vector<16xi32>, vector<16xi32> -> vector<16xi32>
    %ge3A_238 = arith.cmpi uge, %masked_sort3A_128, %rev3A_237 : vector<16xi32>
    %select_n3A_239 = arith.select %ge3A_238, %masked_sort3A_128, %rev3A_237 : vector<16xi1>, vector<16xi32>
    %masked_sort3A_240 = arith.constant dense<true> : vector<16xi1>
    %masked_sort3A_241, %masked_sort3A_242, %masked_sort3A_243 = tpu.sort %select_n3A_239, %select_n3A_239 masked %masked_sort3A_240 {descending = true} : (vector<16xi32>, vector<16xi32>, vector<16xi1>) -> (vector<16xi1>, vector<16xi32>, vector<16xi32>)
    %rev3A_244 = arith.constant 15 : i32
    %rev3A_245 = vector.broadcast %rev3A_244 : i32 to vector<16xi32>
    %rev3A_246 = tpu.iota {dimensions = array<i32: 0>} : vector<16xi32>
    %rev3A_247 = arith.subi %rev3A_245, %rev3A_246 : vector<16xi32>
    %rev3A_248 = tpu.dynamic_gather %masked_sort3A_212[%rev3A_247] in [0] : vector<16xi32>, vector<16xi32> -> vector<16xi32>
    %ge3A_249 = arith.cmpi uge, %masked_sort3A_184, %rev3A_248 : vector<16xi32>
    %select_n3A_250 = arith.select %ge3A_249, %masked_sort3A_184, %rev3A_248 : vector<16xi1>, vector<16xi32>
    %masked_sort3A_251 = arith.constant dense<true> : vector<16xi1>
    %masked_sort3A_252, %masked_sort3A_253, %masked_sort3A_254 = tpu.sort %select_n3A_250, %select_n3A_250 masked %masked_sort3A_251 {descending = true} : (vector<16xi32>, vector<16xi32>, vector<16xi1>) -> (vector<16xi1>, vector<16xi32>, vector<16xi32>)
    %rev3A_255 = arith.constant 15 : i32
    %rev3A_256 = vector.broadcast %rev3A_255 : i32 to vector<16xi32>
    %rev3A_257 = tpu.iota {dimensions = array<i32: 0>} : vector<16xi32>
    %rev3A_258 = arith.subi %rev3A_256, %rev3A_257 : vector<16xi32>
    %rev3A_259 = tpu.dynamic_gather %masked_sort3A_231[%rev3A_258] in [0] : vector<16xi32>, vector<16xi32> -> vector<16xi32>
    %ge3A_260 = arith.cmpi uge, %masked_sort3A_220, %rev3A_259 : vector<16xi32>
    %select_n3A_261 = arith.select %ge3A_260, %masked_sort3A_220, %rev3A_259 : vector<16xi1>, vector<16xi32>
    %masked_sort3A_262 = arith.constant dense<true> : vector<16xi1>
    %masked_sort3A_263, %masked_sort3A_264, %masked_sort3A_265 = tpu.sort %select_n3A_261, %select_n3A_261 masked %masked_sort3A_262 {descending = true} : (vector<16xi32>, vector<16xi32>, vector<16xi1>) -> (vector<16xi1>, vector<16xi32>, vector<16xi32>)
    %rev3A_266 = arith.constant 15 : i32
    %rev3A_267 = vector.broadcast %rev3A_266 : i32 to vector<16xi32>
    %rev3A_268 = tpu.iota {dimensions = array<i32: 0>} : vector<16xi32>
    %rev3A_269 = arith.subi %rev3A_267, %rev3A_268 : vector<16xi32>
    %rev3A_270 = tpu.dynamic_gather %masked_sort3A_253[%rev3A_269] in [0] : vector<16xi32>, vector<16xi32> -> vector<16xi32>
    %ge3A_271 = arith.cmpi uge, %masked_sort3A_242, %rev3A_270 : vector<16xi32>
    %select_n3A_272 = arith.select %ge3A_271, %masked_sort3A_242, %rev3A_270 : vector<16xi1>, vector<16xi32>
    %masked_sort3A_273 = arith.constant dense<true> : vector<16xi1>
    %masked_sort3A_274, %masked_sort3A_275, %masked_sort3A_276 = tpu.sort %select_n3A_272, %select_n3A_272 masked %masked_sort3A_273 {descending = true} : (vector<16xi32>, vector<16xi32>, vector<16xi1>) -> (vector<16xi1>, vector<16xi32>, vector<16xi32>)
    %rev3A_277 = arith.constant 15 : i32
    %rev3A_278 = vector.broadcast %rev3A_277 : i32 to vector<16xi32>
    %rev3A_279 = tpu.iota {dimensions = array<i32: 0>} : vector<16xi32>
    %rev3A_280 = arith.subi %rev3A_278, %rev3A_279 : vector<16xi32>
    %rev3A_281 = tpu.dynamic_gather %masked_sort3A_275[%rev3A_280] in [0] : vector<16xi32>, vector<16xi32> -> vector<16xi32>
    %ge3A_282 = arith.cmpi uge, %masked_sort3A_264, %rev3A_281 : vector<16xi32>
    %select_n3A_283 = arith.select %ge3A_282, %masked_sort3A_264, %rev3A_281 : vector<16xi1>, vector<16xi32>
    %masked_sort3A_284 = arith.constant dense<true> : vector<16xi1>
    %masked_sort3A_285, %masked_sort3A_286, %masked_sort3A_287 = tpu.sort %select_n3A_283, %select_n3A_283 masked %masked_sort3A_284 {descending = true} : (vector<16xi32>, vector<16xi32>, vector<16xi1>) -> (vector<16xi1>, vector<16xi32>, vector<16xi32>)
    %eq3A = arith.constant 0 : i32
    %eq3A_288 = arith.cmpi eq, %arg1, %eq3A : i32
    %convert_element_type3A = arith.extui %eq3A_288 : i1 to i32
    %cond3A = arith.constant 0 : i32
    %cond3A_289 = arith.cmpi ne, %convert_element_type3A, %cond3A : i32
    scf.if %cond3A_289 {
      %broadcast_in_dim3A_290 = arith.constant 127 : i32
      %broadcast_in_dim3A_291 = vector.broadcast %broadcast_in_dim3A_290 : i32 to vector<16xi32>
      %broadcast_in_dim3A_292 = arith.constant 127 : i32
      %broadcast_in_dim3A_293 = vector.broadcast %broadcast_in_dim3A_292 : i32 to vector<16xi32>
      %and3A_294 = arith.andi %masked_sort3A_286, %broadcast_in_dim3A_293 : vector<16xi32>
      %bitcast_convert_type3A_295 = tpu.bitcast %and3A_294 : vector<16xi32> -> vector<16xi32>
      %sub3A_296 = arith.subi %broadcast_in_dim3A_291, %bitcast_convert_type3A_295 : vector<16xi32>
      %broadcast_in_dim3A_297 = arith.constant 7 : i32
      %broadcast_in_dim3A_298 = vector.broadcast %broadcast_in_dim3A_297 : i32 to vector<16xi32>
      %shift_right_logical3A = arith.shrui %masked_sort3A_286, %broadcast_in_dim3A_298 : vector<16xi32>
      %broadcast_in_dim3A_299 = arith.constant 1041865114 : i32
      %broadcast_in_dim3A_300 = vector.broadcast %broadcast_in_dim3A_299 : i32 to vector<16xi32>
      %add3A_301 = arith.addi %shift_right_logical3A, %broadcast_in_dim3A_300 : vector<16xi32>
      %swap3A = arith.constant 0 : index
      %swap3A_302 = tpu.vector_load %arg6[%swap3A] {strides = array<i32>} : memref<16xi32, #tpu.memory_space<vmem>>, vector<16xi32>,
      tpu.vector_store %arg6[%swap3A], %sub3A_296 {strides = array<i32>} : memref<16xi32, #tpu.memory_space<vmem>>, vector<16xi32>,
      %bitcast_convert_type3A_303 = tpu.bitcast %add3A_301 : vector<16xi32> -> vector<16xf32>
      %swap3A_304 = arith.constant 0 : index
      %swap3A_305 = tpu.vector_load %arg7[%swap3A_304] {strides = array<i32>} : memref<16xf32, #tpu.memory_space<vmem>>, vector<16xf32>,
      tpu.vector_store %arg7[%swap3A_304], %bitcast_convert_type3A_303 {strides = array<i32>} : memref<16xf32, #tpu.memory_space<vmem>>, vector<16xf32>,
      "tpu.region"() ({
        %run_scoped3A = tpu.sem_alloc : memref<!tpu.dma_semaphore, #tpu.memory_space<semaphore_mem>>
        tpu.enqueue_dma source(%arg6 : memref<16xi32, #tpu.memory_space<vmem>>) target(%arg3 : memref<16xi32, #tpu.memory_space<hbm>>) target_semaphore(%run_scoped3A : memref<!tpu.dma_semaphore, #tpu.memory_space<semaphore_mem>>)
        tpu.wait_dma2 semaphore(%run_scoped3A : memref<!tpu.dma_semaphore, #tpu.memory_space<semaphore_mem>>) src(%arg6 : memref<16xi32, #tpu.memory_space<vmem>>) dst(%arg3 : memref<16xi32, #tpu.memory_space<hbm>>)
        tpu.yield
      }) : () -> ()
      "tpu.region"() ({
        %run_scoped3A = tpu.sem_alloc : memref<!tpu.dma_semaphore, #tpu.memory_space<semaphore_mem>>
        tpu.enqueue_dma source(%arg7 : memref<16xf32, #tpu.memory_space<vmem>>) target(%arg4 : memref<16xf32, #tpu.memory_space<hbm>>) target_semaphore(%run_scoped3A : memref<!tpu.dma_semaphore, #tpu.memory_space<semaphore_mem>>)
        tpu.wait_dma2 semaphore(%run_scoped3A : memref<!tpu.dma_semaphore, #tpu.memory_space<semaphore_mem>>) src(%arg7 : memref<16xf32, #tpu.memory_space<vmem>>) dst(%arg4 : memref<16xf32, #tpu.memory_space<hbm>>)
        tpu.yield
      }) : () -> ()
    } else {
    }
    return
  }
}

module attributes {stable_mosaic.version = 14 : i64} {
  func.func @_tc_score_body(%arg0: i32, %arg1: memref<32x32768xf32, #tpu.memory_space<vmem>>, %arg2: memref<4x1x32xf32, #tpu.memory_space<vmem>>) attributes {dimension_semantics = [#tpu.dimension_semantics<arbitrary>], iteration_bounds = array<i64: 4>, scalar_prefetch = 0 : i64, scratch_operands = 0 : i64, tpu.core_type = #tpu.core_type<tc>, window_params = [{transform_indices = @transform_0, window_bounds = array<i64: 32, 32768>}, {pipeline_mode = #tpu.pipeline_mode<synchronous>, transform_indices = @transform_1, window_bounds = array<i64: 4, 1, 32>}]} {
    %get3A = arith.constant 0 : index
    %get3A_0 = arith.constant 0 : index
    %get3A_1 = vector.load %arg1[%get3A, %get3A_0] : memref<32x32768xf32, #tpu.memory_space<vmem>>, vector<32x32768xf32>
    %reduce_sum3A = arith.constant dense<0.000000e+00> : vector<32xf32>
    %reduce_sum3A_2 = vector.multi_reduction <add>, %get3A_1, %reduce_sum3A [1] : vector<32x32768xf32> to vector<32xf32>
    %mul3A = arith.mulf %get3A_1, %get3A_1 : vector<32x32768xf32>
    %reduce_sum3A_3 = arith.constant dense<0.000000e+00> : vector<32xf32>
    %reduce_sum3A_4 = vector.multi_reduction <add>, %mul3A, %reduce_sum3A_3 [1] : vector<32x32768xf32> to vector<32xf32>
    %mul3A_5 = arith.mulf %reduce_sum3A_2, %reduce_sum3A_2 : vector<32xf32>
    %mul3A_6 = arith.constant 3.05175781E-5 : f32
    %mul3A_7 = vector.broadcast %mul3A_6 : f32 to vector<32xf32>
    %mul3A_8 = arith.mulf %mul3A_5, %mul3A_7 : vector<32xf32>
    %sub3A = arith.subf %reduce_sum3A_4, %mul3A_8 : vector<32xf32>
    %mul3A_9 = arith.constant 3.05185094E-5 : f32
    %mul3A_10 = vector.broadcast %mul3A_9 : f32 to vector<32xf32>
    %mul3A_11 = arith.mulf %sub3A, %mul3A_10 : vector<32xf32>
    %max3A = arith.constant 0.000000e+00 : f32
    %max3A_12 = vector.broadcast %max3A : f32 to vector<32xf32>
    %max3A_13 = arith.maximumf %mul3A_11, %max3A_12 : vector<32xf32>
    %sqrt3A = math.sqrt %max3A_13 : vector<32xf32>
    %lt3A = arith.constant 0.00999999977 : f32
    %lt3A_14 = vector.broadcast %lt3A : f32 to vector<32xf32>
    %lt3A_15 = arith.cmpf olt, %sqrt3A, %lt3A_14 : vector<32xf32>
    %mul3A_16 = arith.constant 1.000000e+01 : f32
    %mul3A_17 = vector.broadcast %mul3A_16 : f32 to vector<32xf32>
    %mul3A_18 = arith.mulf %sqrt3A, %mul3A_17 : vector<32xf32>
    %gt3A = arith.constant 5.000000e-01 : f32
    %gt3A_19 = vector.broadcast %gt3A : f32 to vector<32xf32>
    %gt3A_20 = arith.cmpf ogt, %sqrt3A, %gt3A_19 : vector<32xf32>
    %div3A = arith.constant 5.000000e-01 : f32
    %div3A_21 = vector.broadcast %div3A : f32 to vector<32xf32>
    %div3A_22 = arith.divf %div3A_21, %sqrt3A : vector<32xf32>
    %sub3A_23 = arith.constant 1.000000e-01 : f32
    %sub3A_24 = vector.broadcast %sub3A_23 : f32 to vector<32xf32>
    %sub3A_25 = arith.subf %sqrt3A, %sub3A_24 : vector<32xf32>
    %abs3A = math.absf %sub3A_25 : vector<32xf32>
    %sub3A_26 = arith.constant 1.000000e+00 : f32
    %sub3A_27 = vector.broadcast %sub3A_26 : f32 to vector<32xf32>
    %sub3A_28 = arith.subf %sub3A_27, %abs3A : vector<32xf32>
    %select_n3A = arith.select %gt3A_20, %div3A_22, %sub3A_28 : vector<32xi1>, vector<32xf32>
    %select_n3A_29 = arith.select %lt3A_15, %mul3A_18, %select_n3A : vector<32xi1>, vector<32xf32>
    %add3A = arith.constant 1.500000e-01 : f32
    %add3A_30 = vector.broadcast %add3A : f32 to vector<32xf32>
    %add3A_31 = arith.addf %select_n3A_29, %add3A_30 : vector<32xf32>
    %reshape3A = vector.shape_cast %add3A_31 : vector<32xf32> to vector<1x1x32xf32>
    %swap3A = arith.index_cast %arg0 : i32 to index
    %swap3A_32 = arith.constant 0 : index
    %swap3A_33 = arith.constant 0 : index
    %swap3A_34 = vector.load %arg2[%swap3A, %swap3A_32, %swap3A_33] : memref<4x1x32xf32, #tpu.memory_space<vmem>>, vector<1x1x32xf32>
    tpu.vector_store %arg2[%swap3A, %swap3A_32, %swap3A_33], %reshape3A {strides = array<i32>} : memref<4x1x32xf32, #tpu.memory_space<vmem>>, vector<1x1x32xf32>,
    return
  }
  func.func @transform_0(%arg0: i32) -> (i32, i32) {
    %c0_i32 = arith.constant 0 : i32
    %c0_i32_0 = arith.constant 0 : i32
    return %arg0, %c0_i32 : i32, i32
  }
  func.func @transform_1(%arg0: i32) -> (i32, i32, i32) {
    %c0_i32 = arith.constant 0 : i32
    %c0_i32_0 = arith.constant 0 : i32
    %c0_i32_1 = arith.constant 0 : i32
    %c0_i32_2 = arith.constant 0 : i32
    return %c0_i32, %c0_i32_0, %c0_i32_1 : i32, i32, i32
  }
}

module attributes {stable_mosaic.version = 14 : i64} {
  func.func @_tc_gather_body(%arg0: i32, %arg1: memref<16xi32, #tpu.memory_space<smem>>, %arg2: memref<128x32768xf32, #tpu.memory_space<any>>, %arg3: memref<16x32768xf32, #tpu.memory_space<any>>, %arg4: memref<16x32768xf32, #tpu.memory_space<vmem>>, %arg5: memref<16x!tpu.dma_semaphore, #tpu.memory_space<semaphore_mem>>, %arg6: memref<!tpu.dma_semaphore, #tpu.memory_space<semaphore_mem>>) attributes {dimension_semantics = [#tpu.dimension_semantics<arbitrary>], iteration_bounds = array<i64: 1>, scalar_prefetch = 1 : i64, scratch_operands = 3 : i64, tpu.core_type = #tpu.core_type<tc>, window_params = [{}, {}]} {
    %get3A = arith.constant 0 : index
    %get3A_0 = memref.load %arg1[%get3A] : memref<16xi32, #tpu.memory_space<smem>>
    %get3A_1 = arith.constant 1 : index
    %get3A_2 = memref.load %arg1[%get3A_1] : memref<16xi32, #tpu.memory_space<smem>>
    %get3A_3 = arith.constant 2 : index
    %get3A_4 = memref.load %arg1[%get3A_3] : memref<16xi32, #tpu.memory_space<smem>>
    %get3A_5 = arith.constant 3 : index
    %get3A_6 = memref.load %arg1[%get3A_5] : memref<16xi32, #tpu.memory_space<smem>>
    %get3A_7 = arith.constant 4 : index
    %get3A_8 = memref.load %arg1[%get3A_7] : memref<16xi32, #tpu.memory_space<smem>>
    %get3A_9 = arith.constant 5 : index
    %get3A_10 = memref.load %arg1[%get3A_9] : memref<16xi32, #tpu.memory_space<smem>>
    %get3A_11 = arith.constant 6 : index
    %get3A_12 = memref.load %arg1[%get3A_11] : memref<16xi32, #tpu.memory_space<smem>>
    %get3A_13 = arith.constant 7 : index
    %get3A_14 = memref.load %arg1[%get3A_13] : memref<16xi32, #tpu.memory_space<smem>>
    %get3A_15 = arith.constant 8 : index
    %get3A_16 = memref.load %arg1[%get3A_15] : memref<16xi32, #tpu.memory_space<smem>>
    %get3A_17 = arith.constant 9 : index
    %get3A_18 = memref.load %arg1[%get3A_17] : memref<16xi32, #tpu.memory_space<smem>>
    %get3A_19 = arith.constant 10 : index
    %get3A_20 = memref.load %arg1[%get3A_19] : memref<16xi32, #tpu.memory_space<smem>>
    %get3A_21 = arith.constant 11 : index
    %get3A_22 = memref.load %arg1[%get3A_21] : memref<16xi32, #tpu.memory_space<smem>>
    %get3A_23 = arith.constant 12 : index
    %get3A_24 = memref.load %arg1[%get3A_23] : memref<16xi32, #tpu.memory_space<smem>>
    %get3A_25 = arith.constant 13 : index
    %get3A_26 = memref.load %arg1[%get3A_25] : memref<16xi32, #tpu.memory_space<smem>>
    %get3A_27 = arith.constant 14 : index
    %get3A_28 = memref.load %arg1[%get3A_27] : memref<16xi32, #tpu.memory_space<smem>>
    %get3A_29 = arith.constant 15 : index
    %get3A_30 = memref.load %arg1[%get3A_29] : memref<16xi32, #tpu.memory_space<smem>>
    %dma_start3A = arith.constant 0 : i32
    %dma_start3A_31 = tpu.memref_slice %arg5[%dma_start3A] : memref<16x!tpu.dma_semaphore, #tpu.memory_space<semaphore_mem>> -> memref<1x!tpu.dma_semaphore, #tpu.memory_space<semaphore_mem>>
    %dma_start3A_32 = tpu.memref_squeeze %dma_start3A_31 : memref<1x!tpu.dma_semaphore, #tpu.memory_space<semaphore_mem>> -> memref<!tpu.dma_semaphore, #tpu.memory_space<semaphore_mem>>
    %dma_start3A_33 = arith.constant 0 : i32
    %dma_start3A_34 = arith.constant 0 : i32
    %dma_start3A_35 = tpu.memref_slice %arg4[%dma_start3A_33, %dma_start3A_34] : memref<16x32768xf32, #tpu.memory_space<vmem>> -> memref<1x32768xf32, #tpu.memory_space<vmem>>
    %dma_start3A_36 = arith.constant 0 : i32
    %dma_start3A_37 = tpu.memref_slice %arg2[%get3A_0, %dma_start3A_36] : memref<128x32768xf32, #tpu.memory_space<any>> -> memref<1x32768xf32, #tpu.memory_space<any>>
    tpu.enqueue_dma source(%dma_start3A_37 : memref<1x32768xf32, #tpu.memory_space<any>>) target(%dma_start3A_35 : memref<1x32768xf32, #tpu.memory_space<vmem>>) target_semaphore(%dma_start3A_32 : memref<!tpu.dma_semaphore, #tpu.memory_space<semaphore_mem>>)
    %dma_start3A_38 = arith.constant 1 : i32
    %dma_start3A_39 = tpu.memref_slice %arg5[%dma_start3A_38] : memref<16x!tpu.dma_semaphore, #tpu.memory_space<semaphore_mem>> -> memref<1x!tpu.dma_semaphore, #tpu.memory_space<semaphore_mem>>
    %dma_start3A_40 = tpu.memref_squeeze %dma_start3A_39 : memref<1x!tpu.dma_semaphore, #tpu.memory_space<semaphore_mem>> -> memref<!tpu.dma_semaphore, #tpu.memory_space<semaphore_mem>>
    %dma_start3A_41 = arith.constant 1 : i32
    %dma_start3A_42 = arith.constant 0 : i32
    %dma_start3A_43 = tpu.memref_slice %arg4[%dma_start3A_41, %dma_start3A_42] : memref<16x32768xf32, #tpu.memory_space<vmem>> -> memref<1x32768xf32, #tpu.memory_space<vmem>>
    %dma_start3A_44 = arith.constant 0 : i32
    %dma_start3A_45 = tpu.memref_slice %arg2[%get3A_2, %dma_start3A_44] : memref<128x32768xf32, #tpu.memory_space<any>> -> memref<1x32768xf32, #tpu.memory_space<any>>
    tpu.enqueue_dma source(%dma_start3A_45 : memref<1x32768xf32, #tpu.memory_space<any>>) target(%dma_start3A_43 : memref<1x32768xf32, #tpu.memory_space<vmem>>) target_semaphore(%dma_start3A_40 : memref<!tpu.dma_semaphore, #tpu.memory_space<semaphore_mem>>)
    %dma_start3A_46 = arith.constant 2 : i32
    %dma_start3A_47 = tpu.memref_slice %arg5[%dma_start3A_46] : memref<16x!tpu.dma_semaphore, #tpu.memory_space<semaphore_mem>> -> memref<1x!tpu.dma_semaphore, #tpu.memory_space<semaphore_mem>>
    %dma_start3A_48 = tpu.memref_squeeze %dma_start3A_47 : memref<1x!tpu.dma_semaphore, #tpu.memory_space<semaphore_mem>> -> memref<!tpu.dma_semaphore, #tpu.memory_space<semaphore_mem>>
    %dma_start3A_49 = arith.constant 2 : i32
    %dma_start3A_50 = arith.constant 0 : i32
    %dma_start3A_51 = tpu.memref_slice %arg4[%dma_start3A_49, %dma_start3A_50] : memref<16x32768xf32, #tpu.memory_space<vmem>> -> memref<1x32768xf32, #tpu.memory_space<vmem>>
    %dma_start3A_52 = arith.constant 0 : i32
    %dma_start3A_53 = tpu.memref_slice %arg2[%get3A_4, %dma_start3A_52] : memref<128x32768xf32, #tpu.memory_space<any>> -> memref<1x32768xf32, #tpu.memory_space<any>>
    tpu.enqueue_dma source(%dma_start3A_53 : memref<1x32768xf32, #tpu.memory_space<any>>) target(%dma_start3A_51 : memref<1x32768xf32, #tpu.memory_space<vmem>>) target_semaphore(%dma_start3A_48 : memref<!tpu.dma_semaphore, #tpu.memory_space<semaphore_mem>>)
    %dma_start3A_54 = arith.constant 3 : i32
    %dma_start3A_55 = tpu.memref_slice %arg5[%dma_start3A_54] : memref<16x!tpu.dma_semaphore, #tpu.memory_space<semaphore_mem>> -> memref<1x!tpu.dma_semaphore, #tpu.memory_space<semaphore_mem>>
    %dma_start3A_56 = tpu.memref_squeeze %dma_start3A_55 : memref<1x!tpu.dma_semaphore, #tpu.memory_space<semaphore_mem>> -> memref<!tpu.dma_semaphore, #tpu.memory_space<semaphore_mem>>
    %dma_start3A_57 = arith.constant 3 : i32
    %dma_start3A_58 = arith.constant 0 : i32
    %dma_start3A_59 = tpu.memref_slice %arg4[%dma_start3A_57, %dma_start3A_58] : memref<16x32768xf32, #tpu.memory_space<vmem>> -> memref<1x32768xf32, #tpu.memory_space<vmem>>
    %dma_start3A_60 = arith.constant 0 : i32
    %dma_start3A_61 = tpu.memref_slice %arg2[%get3A_6, %dma_start3A_60] : memref<128x32768xf32, #tpu.memory_space<any>> -> memref<1x32768xf32, #tpu.memory_space<any>>
    tpu.enqueue_dma source(%dma_start3A_61 : memref<1x32768xf32, #tpu.memory_space<any>>) target(%dma_start3A_59 : memref<1x32768xf32, #tpu.memory_space<vmem>>) target_semaphore(%dma_start3A_56 : memref<!tpu.dma_semaphore, #tpu.memory_space<semaphore_mem>>)
    %dma_start3A_62 = arith.constant 4 : i32
    %dma_start3A_63 = tpu.memref_slice %arg5[%dma_start3A_62] : memref<16x!tpu.dma_semaphore, #tpu.memory_space<semaphore_mem>> -> memref<1x!tpu.dma_semaphore, #tpu.memory_space<semaphore_mem>>
    %dma_start3A_64 = tpu.memref_squeeze %dma_start3A_63 : memref<1x!tpu.dma_semaphore, #tpu.memory_space<semaphore_mem>> -> memref<!tpu.dma_semaphore, #tpu.memory_space<semaphore_mem>>
    %dma_start3A_65 = arith.constant 4 : i32
    %dma_start3A_66 = arith.constant 0 : i32
    %dma_start3A_67 = tpu.memref_slice %arg4[%dma_start3A_65, %dma_start3A_66] : memref<16x32768xf32, #tpu.memory_space<vmem>> -> memref<1x32768xf32, #tpu.memory_space<vmem>>
    %dma_start3A_68 = arith.constant 0 : i32
    %dma_start3A_69 = tpu.memref_slice %arg2[%get3A_8, %dma_start3A_68] : memref<128x32768xf32, #tpu.memory_space<any>> -> memref<1x32768xf32, #tpu.memory_space<any>>
    tpu.enqueue_dma source(%dma_start3A_69 : memref<1x32768xf32, #tpu.memory_space<any>>) target(%dma_start3A_67 : memref<1x32768xf32, #tpu.memory_space<vmem>>) target_semaphore(%dma_start3A_64 : memref<!tpu.dma_semaphore, #tpu.memory_space<semaphore_mem>>)
    %dma_start3A_70 = arith.constant 5 : i32
    %dma_start3A_71 = tpu.memref_slice %arg5[%dma_start3A_70] : memref<16x!tpu.dma_semaphore, #tpu.memory_space<semaphore_mem>> -> memref<1x!tpu.dma_semaphore, #tpu.memory_space<semaphore_mem>>
    %dma_start3A_72 = tpu.memref_squeeze %dma_start3A_71 : memref<1x!tpu.dma_semaphore, #tpu.memory_space<semaphore_mem>> -> memref<!tpu.dma_semaphore, #tpu.memory_space<semaphore_mem>>
    %dma_start3A_73 = arith.constant 5 : i32
    %dma_start3A_74 = arith.constant 0 : i32
    %dma_start3A_75 = tpu.memref_slice %arg4[%dma_start3A_73, %dma_start3A_74] : memref<16x32768xf32, #tpu.memory_space<vmem>> -> memref<1x32768xf32, #tpu.memory_space<vmem>>
    %dma_start3A_76 = arith.constant 0 : i32
    %dma_start3A_77 = tpu.memref_slice %arg2[%get3A_10, %dma_start3A_76] : memref<128x32768xf32, #tpu.memory_space<any>> -> memref<1x32768xf32, #tpu.memory_space<any>>
    tpu.enqueue_dma source(%dma_start3A_77 : memref<1x32768xf32, #tpu.memory_space<any>>) target(%dma_start3A_75 : memref<1x32768xf32, #tpu.memory_space<vmem>>) target_semaphore(%dma_start3A_72 : memref<!tpu.dma_semaphore, #tpu.memory_space<semaphore_mem>>)
    %dma_start3A_78 = arith.constant 6 : i32
    %dma_start3A_79 = tpu.memref_slice %arg5[%dma_start3A_78] : memref<16x!tpu.dma_semaphore, #tpu.memory_space<semaphore_mem>> -> memref<1x!tpu.dma_semaphore, #tpu.memory_space<semaphore_mem>>
    %dma_start3A_80 = tpu.memref_squeeze %dma_start3A_79 : memref<1x!tpu.dma_semaphore, #tpu.memory_space<semaphore_mem>> -> memref<!tpu.dma_semaphore, #tpu.memory_space<semaphore_mem>>
    %dma_start3A_81 = arith.constant 6 : i32
    %dma_start3A_82 = arith.constant 0 : i32
    %dma_start3A_83 = tpu.memref_slice %arg4[%dma_start3A_81, %dma_start3A_82] : memref<16x32768xf32, #tpu.memory_space<vmem>> -> memref<1x32768xf32, #tpu.memory_space<vmem>>
    %dma_start3A_84 = arith.constant 0 : i32
    %dma_start3A_85 = tpu.memref_slice %arg2[%get3A_12, %dma_start3A_84] : memref<128x32768xf32, #tpu.memory_space<any>> -> memref<1x32768xf32, #tpu.memory_space<any>>
    tpu.enqueue_dma source(%dma_start3A_85 : memref<1x32768xf32, #tpu.memory_space<any>>) target(%dma_start3A_83 : memref<1x32768xf32, #tpu.memory_space<vmem>>) target_semaphore(%dma_start3A_80 : memref<!tpu.dma_semaphore, #tpu.memory_space<semaphore_mem>>)
    %dma_start3A_86 = arith.constant 7 : i32
    %dma_start3A_87 = tpu.memref_slice %arg5[%dma_start3A_86] : memref<16x!tpu.dma_semaphore, #tpu.memory_space<semaphore_mem>> -> memref<1x!tpu.dma_semaphore, #tpu.memory_space<semaphore_mem>>
    %dma_start3A_88 = tpu.memref_squeeze %dma_start3A_87 : memref<1x!tpu.dma_semaphore, #tpu.memory_space<semaphore_mem>> -> memref<!tpu.dma_semaphore, #tpu.memory_space<semaphore_mem>>
    %dma_start3A_89 = arith.constant 7 : i32
    %dma_start3A_90 = arith.constant 0 : i32
    %dma_start3A_91 = tpu.memref_slice %arg4[%dma_start3A_89, %dma_start3A_90] : memref<16x32768xf32, #tpu.memory_space<vmem>> -> memref<1x32768xf32, #tpu.memory_space<vmem>>
    %dma_start3A_92 = arith.constant 0 : i32
    %dma_start3A_93 = tpu.memref_slice %arg2[%get3A_14, %dma_start3A_92] : memref<128x32768xf32, #tpu.memory_space<any>> -> memref<1x32768xf32, #tpu.memory_space<any>>
    tpu.enqueue_dma source(%dma_start3A_93 : memref<1x32768xf32, #tpu.memory_space<any>>) target(%dma_start3A_91 : memref<1x32768xf32, #tpu.memory_space<vmem>>) target_semaphore(%dma_start3A_88 : memref<!tpu.dma_semaphore, #tpu.memory_space<semaphore_mem>>)
    %dma_start3A_94 = arith.constant 8 : i32
    %dma_start3A_95 = tpu.memref_slice %arg5[%dma_start3A_94] : memref<16x!tpu.dma_semaphore, #tpu.memory_space<semaphore_mem>> -> memref<1x!tpu.dma_semaphore, #tpu.memory_space<semaphore_mem>>
    %dma_start3A_96 = tpu.memref_squeeze %dma_start3A_95 : memref<1x!tpu.dma_semaphore, #tpu.memory_space<semaphore_mem>> -> memref<!tpu.dma_semaphore, #tpu.memory_space<semaphore_mem>>
    %dma_start3A_97 = arith.constant 8 : i32
    %dma_start3A_98 = arith.constant 0 : i32
    %dma_start3A_99 = tpu.memref_slice %arg4[%dma_start3A_97, %dma_start3A_98] : memref<16x32768xf32, #tpu.memory_space<vmem>> -> memref<1x32768xf32, #tpu.memory_space<vmem>>
    %dma_start3A_100 = arith.constant 0 : i32
    %dma_start3A_101 = tpu.memref_slice %arg2[%get3A_16, %dma_start3A_100] : memref<128x32768xf32, #tpu.memory_space<any>> -> memref<1x32768xf32, #tpu.memory_space<any>>
    tpu.enqueue_dma source(%dma_start3A_101 : memref<1x32768xf32, #tpu.memory_space<any>>) target(%dma_start3A_99 : memref<1x32768xf32, #tpu.memory_space<vmem>>) target_semaphore(%dma_start3A_96 : memref<!tpu.dma_semaphore, #tpu.memory_space<semaphore_mem>>)
    %dma_start3A_102 = arith.constant 9 : i32
    %dma_start3A_103 = tpu.memref_slice %arg5[%dma_start3A_102] : memref<16x!tpu.dma_semaphore, #tpu.memory_space<semaphore_mem>> -> memref<1x!tpu.dma_semaphore, #tpu.memory_space<semaphore_mem>>
    %dma_start3A_104 = tpu.memref_squeeze %dma_start3A_103 : memref<1x!tpu.dma_semaphore, #tpu.memory_space<semaphore_mem>> -> memref<!tpu.dma_semaphore, #tpu.memory_space<semaphore_mem>>
    %dma_start3A_105 = arith.constant 9 : i32
    %dma_start3A_106 = arith.constant 0 : i32
    %dma_start3A_107 = tpu.memref_slice %arg4[%dma_start3A_105, %dma_start3A_106] : memref<16x32768xf32, #tpu.memory_space<vmem>> -> memref<1x32768xf32, #tpu.memory_space<vmem>>
    %dma_start3A_108 = arith.constant 0 : i32
    %dma_start3A_109 = tpu.memref_slice %arg2[%get3A_18, %dma_start3A_108] : memref<128x32768xf32, #tpu.memory_space<any>> -> memref<1x32768xf32, #tpu.memory_space<any>>
    tpu.enqueue_dma source(%dma_start3A_109 : memref<1x32768xf32, #tpu.memory_space<any>>) target(%dma_start3A_107 : memref<1x32768xf32, #tpu.memory_space<vmem>>) target_semaphore(%dma_start3A_104 : memref<!tpu.dma_semaphore, #tpu.memory_space<semaphore_mem>>)
    %dma_start3A_110 = arith.constant 10 : i32
    %dma_start3A_111 = tpu.memref_slice %arg5[%dma_start3A_110] : memref<16x!tpu.dma_semaphore, #tpu.memory_space<semaphore_mem>> -> memref<1x!tpu.dma_semaphore, #tpu.memory_space<semaphore_mem>>
    %dma_start3A_112 = tpu.memref_squeeze %dma_start3A_111 : memref<1x!tpu.dma_semaphore, #tpu.memory_space<semaphore_mem>> -> memref<!tpu.dma_semaphore, #tpu.memory_space<semaphore_mem>>
    %dma_start3A_113 = arith.constant 10 : i32
    %dma_start3A_114 = arith.constant 0 : i32
    %dma_start3A_115 = tpu.memref_slice %arg4[%dma_start3A_113, %dma_start3A_114] : memref<16x32768xf32, #tpu.memory_space<vmem>> -> memref<1x32768xf32, #tpu.memory_space<vmem>>
    %dma_start3A_116 = arith.constant 0 : i32
    %dma_start3A_117 = tpu.memref_slice %arg2[%get3A_20, %dma_start3A_116] : memref<128x32768xf32, #tpu.memory_space<any>> -> memref<1x32768xf32, #tpu.memory_space<any>>
    tpu.enqueue_dma source(%dma_start3A_117 : memref<1x32768xf32, #tpu.memory_space<any>>) target(%dma_start3A_115 : memref<1x32768xf32, #tpu.memory_space<vmem>>) target_semaphore(%dma_start3A_112 : memref<!tpu.dma_semaphore, #tpu.memory_space<semaphore_mem>>)
    %dma_start3A_118 = arith.constant 11 : i32
    %dma_start3A_119 = tpu.memref_slice %arg5[%dma_start3A_118] : memref<16x!tpu.dma_semaphore, #tpu.memory_space<semaphore_mem>> -> memref<1x!tpu.dma_semaphore, #tpu.memory_space<semaphore_mem>>
    %dma_start3A_120 = tpu.memref_squeeze %dma_start3A_119 : memref<1x!tpu.dma_semaphore, #tpu.memory_space<semaphore_mem>> -> memref<!tpu.dma_semaphore, #tpu.memory_space<semaphore_mem>>
    %dma_start3A_121 = arith.constant 11 : i32
    %dma_start3A_122 = arith.constant 0 : i32
    %dma_start3A_123 = tpu.memref_slice %arg4[%dma_start3A_121, %dma_start3A_122] : memref<16x32768xf32, #tpu.memory_space<vmem>> -> memref<1x32768xf32, #tpu.memory_space<vmem>>
    %dma_start3A_124 = arith.constant 0 : i32
    %dma_start3A_125 = tpu.memref_slice %arg2[%get3A_22, %dma_start3A_124] : memref<128x32768xf32, #tpu.memory_space<any>> -> memref<1x32768xf32, #tpu.memory_space<any>>
    tpu.enqueue_dma source(%dma_start3A_125 : memref<1x32768xf32, #tpu.memory_space<any>>) target(%dma_start3A_123 : memref<1x32768xf32, #tpu.memory_space<vmem>>) target_semaphore(%dma_start3A_120 : memref<!tpu.dma_semaphore, #tpu.memory_space<semaphore_mem>>)
    %dma_start3A_126 = arith.constant 12 : i32
    %dma_start3A_127 = tpu.memref_slice %arg5[%dma_start3A_126] : memref<16x!tpu.dma_semaphore, #tpu.memory_space<semaphore_mem>> -> memref<1x!tpu.dma_semaphore, #tpu.memory_space<semaphore_mem>>
    %dma_start3A_128 = tpu.memref_squeeze %dma_start3A_127 : memref<1x!tpu.dma_semaphore, #tpu.memory_space<semaphore_mem>> -> memref<!tpu.dma_semaphore, #tpu.memory_space<semaphore_mem>>
    %dma_start3A_129 = arith.constant 12 : i32
    %dma_start3A_130 = arith.constant 0 : i32
    %dma_start3A_131 = tpu.memref_slice %arg4[%dma_start3A_129, %dma_start3A_130] : memref<16x32768xf32, #tpu.memory_space<vmem>> -> memref<1x32768xf32, #tpu.memory_space<vmem>>
    %dma_start3A_132 = arith.constant 0 : i32
    %dma_start3A_133 = tpu.memref_slice %arg2[%get3A_24, %dma_start3A_132] : memref<128x32768xf32, #tpu.memory_space<any>> -> memref<1x32768xf32, #tpu.memory_space<any>>
    tpu.enqueue_dma source(%dma_start3A_133 : memref<1x32768xf32, #tpu.memory_space<any>>) target(%dma_start3A_131 : memref<1x32768xf32, #tpu.memory_space<vmem>>) target_semaphore(%dma_start3A_128 : memref<!tpu.dma_semaphore, #tpu.memory_space<semaphore_mem>>)
    %dma_start3A_134 = arith.constant 13 : i32
    %dma_start3A_135 = tpu.memref_slice %arg5[%dma_start3A_134] : memref<16x!tpu.dma_semaphore, #tpu.memory_space<semaphore_mem>> -> memref<1x!tpu.dma_semaphore, #tpu.memory_space<semaphore_mem>>
    %dma_start3A_136 = tpu.memref_squeeze %dma_start3A_135 : memref<1x!tpu.dma_semaphore, #tpu.memory_space<semaphore_mem>> -> memref<!tpu.dma_semaphore, #tpu.memory_space<semaphore_mem>>
    %dma_start3A_137 = arith.constant 13 : i32
    %dma_start3A_138 = arith.constant 0 : i32
    %dma_start3A_139 = tpu.memref_slice %arg4[%dma_start3A_137, %dma_start3A_138] : memref<16x32768xf32, #tpu.memory_space<vmem>> -> memref<1x32768xf32, #tpu.memory_space<vmem>>
    %dma_start3A_140 = arith.constant 0 : i32
    %dma_start3A_141 = tpu.memref_slice %arg2[%get3A_26, %dma_start3A_140] : memref<128x32768xf32, #tpu.memory_space<any>> -> memref<1x32768xf32, #tpu.memory_space<any>>
    tpu.enqueue_dma source(%dma_start3A_141 : memref<1x32768xf32, #tpu.memory_space<any>>) target(%dma_start3A_139 : memref<1x32768xf32, #tpu.memory_space<vmem>>) target_semaphore(%dma_start3A_136 : memref<!tpu.dma_semaphore, #tpu.memory_space<semaphore_mem>>)
    %dma_start3A_142 = arith.constant 14 : i32
    %dma_start3A_143 = tpu.memref_slice %arg5[%dma_start3A_142] : memref<16x!tpu.dma_semaphore, #tpu.memory_space<semaphore_mem>> -> memref<1x!tpu.dma_semaphore, #tpu.memory_space<semaphore_mem>>
    %dma_start3A_144 = tpu.memref_squeeze %dma_start3A_143 : memref<1x!tpu.dma_semaphore, #tpu.memory_space<semaphore_mem>> -> memref<!tpu.dma_semaphore, #tpu.memory_space<semaphore_mem>>
    %dma_start3A_145 = arith.constant 14 : i32
    %dma_start3A_146 = arith.constant 0 : i32
    %dma_start3A_147 = tpu.memref_slice %arg4[%dma_start3A_145, %dma_start3A_146] : memref<16x32768xf32, #tpu.memory_space<vmem>> -> memref<1x32768xf32, #tpu.memory_space<vmem>>
    %dma_start3A_148 = arith.constant 0 : i32
    %dma_start3A_149 = tpu.memref_slice %arg2[%get3A_28, %dma_start3A_148] : memref<128x32768xf32, #tpu.memory_space<any>> -> memref<1x32768xf32, #tpu.memory_space<any>>
    tpu.enqueue_dma source(%dma_start3A_149 : memref<1x32768xf32, #tpu.memory_space<any>>) target(%dma_start3A_147 : memref<1x32768xf32, #tpu.memory_space<vmem>>) target_semaphore(%dma_start3A_144 : memref<!tpu.dma_semaphore, #tpu.memory_space<semaphore_mem>>)
    %dma_start3A_150 = arith.constant 15 : i32
    %dma_start3A_151 = tpu.memref_slice %arg5[%dma_start3A_150] : memref<16x!tpu.dma_semaphore, #tpu.memory_space<semaphore_mem>> -> memref<1x!tpu.dma_semaphore, #tpu.memory_space<semaphore_mem>>
    %dma_start3A_152 = tpu.memref_squeeze %dma_start3A_151 : memref<1x!tpu.dma_semaphore, #tpu.memory_space<semaphore_mem>> -> memref<!tpu.dma_semaphore, #tpu.memory_space<semaphore_mem>>
    %dma_start3A_153 = arith.constant 15 : i32
    %dma_start3A_154 = arith.constant 0 : i32
    %dma_start3A_155 = tpu.memref_slice %arg4[%dma_start3A_153, %dma_start3A_154] : memref<16x32768xf32, #tpu.memory_space<vmem>> -> memref<1x32768xf32, #tpu.memory_space<vmem>>
    %dma_start3A_156 = arith.constant 0 : i32
    %dma_start3A_157 = tpu.memref_slice %arg2[%get3A_30, %dma_start3A_156] : memref<128x32768xf32, #tpu.memory_space<any>> -> memref<1x32768xf32, #tpu.memory_space<any>>
    tpu.enqueue_dma source(%dma_start3A_157 : memref<1x32768xf32, #tpu.memory_space<any>>) target(%dma_start3A_155 : memref<1x32768xf32, #tpu.memory_space<vmem>>) target_semaphore(%dma_start3A_152 : memref<!tpu.dma_semaphore, #tpu.memory_space<semaphore_mem>>)
    %dma_wait3A = arith.constant 0 : i32
    %dma_wait3A_158 = tpu.memref_slice %arg5[%dma_wait3A] : memref<16x!tpu.dma_semaphore, #tpu.memory_space<semaphore_mem>> -> memref<1x!tpu.dma_semaphore, #tpu.memory_space<semaphore_mem>>
    %dma_wait3A_159 = tpu.memref_squeeze %dma_wait3A_158 : memref<1x!tpu.dma_semaphore, #tpu.memory_space<semaphore_mem>> -> memref<!tpu.dma_semaphore, #tpu.memory_space<semaphore_mem>>
    %dma_wait3A_160 = arith.constant 0 : i32
    %dma_wait3A_161 = arith.constant 0 : i32
    %dma_wait3A_162 = tpu.memref_slice %arg4[%dma_wait3A_160, %dma_wait3A_161] : memref<16x32768xf32, #tpu.memory_space<vmem>> -> memref<1x32768xf32, #tpu.memory_space<vmem>>
    %dma_wait3A_163 = arith.constant 0 : i32
    %dma_wait3A_164 = tpu.memref_slice %arg2[%get3A_0, %dma_wait3A_163] : memref<128x32768xf32, #tpu.memory_space<any>> -> memref<1x32768xf32, #tpu.memory_space<any>>
    tpu.wait_dma2 semaphore(%dma_wait3A_159 : memref<!tpu.dma_semaphore, #tpu.memory_space<semaphore_mem>>) src(%dma_wait3A_164 : memref<1x32768xf32, #tpu.memory_space<any>>) dst(%dma_wait3A_162 : memref<1x32768xf32, #tpu.memory_space<vmem>>)
    %dma_start3A_165 = arith.constant 0 : i32
    %dma_start3A_166 = arith.constant 0 : i32
    %dma_start3A_167 = tpu.memref_slice %arg3[%dma_start3A_165, %dma_start3A_166] : memref<16x32768xf32, #tpu.memory_space<any>> -> memref<1x32768xf32, #tpu.memory_space<any>>
    %dma_start3A_168 = arith.constant 0 : i32
    %dma_start3A_169 = arith.constant 0 : i32
    %dma_start3A_170 = tpu.memref_slice %arg4[%dma_start3A_168, %dma_start3A_169] : memref<16x32768xf32, #tpu.memory_space<vmem>> -> memref<1x32768xf32, #tpu.memory_space<vmem>>
    tpu.enqueue_dma source(%dma_start3A_170 : memref<1x32768xf32, #tpu.memory_space<vmem>>) target(%dma_start3A_167 : memref<1x32768xf32, #tpu.memory_space<any>>) target_semaphore(%arg6 : memref<!tpu.dma_semaphore, #tpu.memory_space<semaphore_mem>>)
    %dma_wait3A_171 = arith.constant 1 : i32
    %dma_wait3A_172 = tpu.memref_slice %arg5[%dma_wait3A_171] : memref<16x!tpu.dma_semaphore, #tpu.memory_space<semaphore_mem>> -> memref<1x!tpu.dma_semaphore, #tpu.memory_space<semaphore_mem>>
    %dma_wait3A_173 = tpu.memref_squeeze %dma_wait3A_172 : memref<1x!tpu.dma_semaphore, #tpu.memory_space<semaphore_mem>> -> memref<!tpu.dma_semaphore, #tpu.memory_space<semaphore_mem>>
    %dma_wait3A_174 = arith.constant 1 : i32
    %dma_wait3A_175 = arith.constant 0 : i32
    %dma_wait3A_176 = tpu.memref_slice %arg4[%dma_wait3A_174, %dma_wait3A_175] : memref<16x32768xf32, #tpu.memory_space<vmem>> -> memref<1x32768xf32, #tpu.memory_space<vmem>>
    %dma_wait3A_177 = arith.constant 0 : i32
    %dma_wait3A_178 = tpu.memref_slice %arg2[%get3A_2, %dma_wait3A_177] : memref<128x32768xf32, #tpu.memory_space<any>> -> memref<1x32768xf32, #tpu.memory_space<any>>
    tpu.wait_dma2 semaphore(%dma_wait3A_173 : memref<!tpu.dma_semaphore, #tpu.memory_space<semaphore_mem>>) src(%dma_wait3A_178 : memref<1x32768xf32, #tpu.memory_space<any>>) dst(%dma_wait3A_176 : memref<1x32768xf32, #tpu.memory_space<vmem>>)
    %dma_start3A_179 = arith.constant 1 : i32
    %dma_start3A_180 = arith.constant 0 : i32
    %dma_start3A_181 = tpu.memref_slice %arg3[%dma_start3A_179, %dma_start3A_180] : memref<16x32768xf32, #tpu.memory_space<any>> -> memref<1x32768xf32, #tpu.memory_space<any>>
    %dma_start3A_182 = arith.constant 1 : i32
    %dma_start3A_183 = arith.constant 0 : i32
    %dma_start3A_184 = tpu.memref_slice %arg4[%dma_start3A_182, %dma_start3A_183] : memref<16x32768xf32, #tpu.memory_space<vmem>> -> memref<1x32768xf32, #tpu.memory_space<vmem>>
    tpu.enqueue_dma source(%dma_start3A_184 : memref<1x32768xf32, #tpu.memory_space<vmem>>) target(%dma_start3A_181 : memref<1x32768xf32, #tpu.memory_space<any>>) target_semaphore(%arg6 : memref<!tpu.dma_semaphore, #tpu.memory_space<semaphore_mem>>)
    %dma_wait3A_185 = arith.constant 2 : i32
    %dma_wait3A_186 = tpu.memref_slice %arg5[%dma_wait3A_185] : memref<16x!tpu.dma_semaphore, #tpu.memory_space<semaphore_mem>> -> memref<1x!tpu.dma_semaphore, #tpu.memory_space<semaphore_mem>>
    %dma_wait3A_187 = tpu.memref_squeeze %dma_wait3A_186 : memref<1x!tpu.dma_semaphore, #tpu.memory_space<semaphore_mem>> -> memref<!tpu.dma_semaphore, #tpu.memory_space<semaphore_mem>>
    %dma_wait3A_188 = arith.constant 2 : i32
    %dma_wait3A_189 = arith.constant 0 : i32
    %dma_wait3A_190 = tpu.memref_slice %arg4[%dma_wait3A_188, %dma_wait3A_189] : memref<16x32768xf32, #tpu.memory_space<vmem>> -> memref<1x32768xf32, #tpu.memory_space<vmem>>
    %dma_wait3A_191 = arith.constant 0 : i32
    %dma_wait3A_192 = tpu.memref_slice %arg2[%get3A_4, %dma_wait3A_191] : memref<128x32768xf32, #tpu.memory_space<any>> -> memref<1x32768xf32, #tpu.memory_space<any>>
    tpu.wait_dma2 semaphore(%dma_wait3A_187 : memref<!tpu.dma_semaphore, #tpu.memory_space<semaphore_mem>>) src(%dma_wait3A_192 : memref<1x32768xf32, #tpu.memory_space<any>>) dst(%dma_wait3A_190 : memref<1x32768xf32, #tpu.memory_space<vmem>>)
    %dma_start3A_193 = arith.constant 2 : i32
    %dma_start3A_194 = arith.constant 0 : i32
    %dma_start3A_195 = tpu.memref_slice %arg3[%dma_start3A_193, %dma_start3A_194] : memref<16x32768xf32, #tpu.memory_space<any>> -> memref<1x32768xf32, #tpu.memory_space<any>>
    %dma_start3A_196 = arith.constant 2 : i32
    %dma_start3A_197 = arith.constant 0 : i32
    %dma_start3A_198 = tpu.memref_slice %arg4[%dma_start3A_196, %dma_start3A_197] : memref<16x32768xf32, #tpu.memory_space<vmem>> -> memref<1x32768xf32, #tpu.memory_space<vmem>>
    tpu.enqueue_dma source(%dma_start3A_198 : memref<1x32768xf32, #tpu.memory_space<vmem>>) target(%dma_start3A_195 : memref<1x32768xf32, #tpu.memory_space<any>>) target_semaphore(%arg6 : memref<!tpu.dma_semaphore, #tpu.memory_space<semaphore_mem>>)
    %dma_wait3A_199 = arith.constant 3 : i32
    %dma_wait3A_200 = tpu.memref_slice %arg5[%dma_wait3A_199] : memref<16x!tpu.dma_semaphore, #tpu.memory_space<semaphore_mem>> -> memref<1x!tpu.dma_semaphore, #tpu.memory_space<semaphore_mem>>
    %dma_wait3A_201 = tpu.memref_squeeze %dma_wait3A_200 : memref<1x!tpu.dma_semaphore, #tpu.memory_space<semaphore_mem>> -> memref<!tpu.dma_semaphore, #tpu.memory_space<semaphore_mem>>
    %dma_wait3A_202 = arith.constant 3 : i32
    %dma_wait3A_203 = arith.constant 0 : i32
    %dma_wait3A_204 = tpu.memref_slice %arg4[%dma_wait3A_202, %dma_wait3A_203] : memref<16x32768xf32, #tpu.memory_space<vmem>> -> memref<1x32768xf32, #tpu.memory_space<vmem>>
    %dma_wait3A_205 = arith.constant 0 : i32
    %dma_wait3A_206 = tpu.memref_slice %arg2[%get3A_6, %dma_wait3A_205] : memref<128x32768xf32, #tpu.memory_space<any>> -> memref<1x32768xf32, #tpu.memory_space<any>>
    tpu.wait_dma2 semaphore(%dma_wait3A_201 : memref<!tpu.dma_semaphore, #tpu.memory_space<semaphore_mem>>) src(%dma_wait3A_206 : memref<1x32768xf32, #tpu.memory_space<any>>) dst(%dma_wait3A_204 : memref<1x32768xf32, #tpu.memory_space<vmem>>)
    %dma_start3A_207 = arith.constant 3 : i32
    %dma_start3A_208 = arith.constant 0 : i32
    %dma_start3A_209 = tpu.memref_slice %arg3[%dma_start3A_207, %dma_start3A_208] : memref<16x32768xf32, #tpu.memory_space<any>> -> memref<1x32768xf32, #tpu.memory_space<any>>
    %dma_start3A_210 = arith.constant 3 : i32
    %dma_start3A_211 = arith.constant 0 : i32
    %dma_start3A_212 = tpu.memref_slice %arg4[%dma_start3A_210, %dma_start3A_211] : memref<16x32768xf32, #tpu.memory_space<vmem>> -> memref<1x32768xf32, #tpu.memory_space<vmem>>
    tpu.enqueue_dma source(%dma_start3A_212 : memref<1x32768xf32, #tpu.memory_space<vmem>>) target(%dma_start3A_209 : memref<1x32768xf32, #tpu.memory_space<any>>) target_semaphore(%arg6 : memref<!tpu.dma_semaphore, #tpu.memory_space<semaphore_mem>>)
    %dma_wait3A_213 = arith.constant 4 : i32
    %dma_wait3A_214 = tpu.memref_slice %arg5[%dma_wait3A_213] : memref<16x!tpu.dma_semaphore, #tpu.memory_space<semaphore_mem>> -> memref<1x!tpu.dma_semaphore, #tpu.memory_space<semaphore_mem>>
    %dma_wait3A_215 = tpu.memref_squeeze %dma_wait3A_214 : memref<1x!tpu.dma_semaphore, #tpu.memory_space<semaphore_mem>> -> memref<!tpu.dma_semaphore, #tpu.memory_space<semaphore_mem>>
    %dma_wait3A_216 = arith.constant 4 : i32
    %dma_wait3A_217 = arith.constant 0 : i32
    %dma_wait3A_218 = tpu.memref_slice %arg4[%dma_wait3A_216, %dma_wait3A_217] : memref<16x32768xf32, #tpu.memory_space<vmem>> -> memref<1x32768xf32, #tpu.memory_space<vmem>>
    %dma_wait3A_219 = arith.constant 0 : i32
    %dma_wait3A_220 = tpu.memref_slice %arg2[%get3A_8, %dma_wait3A_219] : memref<128x32768xf32, #tpu.memory_space<any>> -> memref<1x32768xf32, #tpu.memory_space<any>>
    tpu.wait_dma2 semaphore(%dma_wait3A_215 : memref<!tpu.dma_semaphore, #tpu.memory_space<semaphore_mem>>) src(%dma_wait3A_220 : memref<1x32768xf32, #tpu.memory_space<any>>) dst(%dma_wait3A_218 : memref<1x32768xf32, #tpu.memory_space<vmem>>)
    %dma_start3A_221 = arith.constant 4 : i32
    %dma_start3A_222 = arith.constant 0 : i32
    %dma_start3A_223 = tpu.memref_slice %arg3[%dma_start3A_221, %dma_start3A_222] : memref<16x32768xf32, #tpu.memory_space<any>> -> memref<1x32768xf32, #tpu.memory_space<any>>
    %dma_start3A_224 = arith.constant 4 : i32
    %dma_start3A_225 = arith.constant 0 : i32
    %dma_start3A_226 = tpu.memref_slice %arg4[%dma_start3A_224, %dma_start3A_225] : memref<16x32768xf32, #tpu.memory_space<vmem>> -> memref<1x32768xf32, #tpu.memory_space<vmem>>
    tpu.enqueue_dma source(%dma_start3A_226 : memref<1x32768xf32, #tpu.memory_space<vmem>>) target(%dma_start3A_223 : memref<1x32768xf32, #tpu.memory_space<any>>) target_semaphore(%arg6 : memref<!tpu.dma_semaphore, #tpu.memory_space<semaphore_mem>>)
    %dma_wait3A_227 = arith.constant 5 : i32
    %dma_wait3A_228 = tpu.memref_slice %arg5[%dma_wait3A_227] : memref<16x!tpu.dma_semaphore, #tpu.memory_space<semaphore_mem>> -> memref<1x!tpu.dma_semaphore, #tpu.memory_space<semaphore_mem>>
    %dma_wait3A_229 = tpu.memref_squeeze %dma_wait3A_228 : memref<1x!tpu.dma_semaphore, #tpu.memory_space<semaphore_mem>> -> memref<!tpu.dma_semaphore, #tpu.memory_space<semaphore_mem>>
    %dma_wait3A_230 = arith.constant 5 : i32
    %dma_wait3A_231 = arith.constant 0 : i32
    %dma_wait3A_232 = tpu.memref_slice %arg4[%dma_wait3A_230, %dma_wait3A_231] : memref<16x32768xf32, #tpu.memory_space<vmem>> -> memref<1x32768xf32, #tpu.memory_space<vmem>>
    %dma_wait3A_233 = arith.constant 0 : i32
    %dma_wait3A_234 = tpu.memref_slice %arg2[%get3A_10, %dma_wait3A_233] : memref<128x32768xf32, #tpu.memory_space<any>> -> memref<1x32768xf32, #tpu.memory_space<any>>
    tpu.wait_dma2 semaphore(%dma_wait3A_229 : memref<!tpu.dma_semaphore, #tpu.memory_space<semaphore_mem>>) src(%dma_wait3A_234 : memref<1x32768xf32, #tpu.memory_space<any>>) dst(%dma_wait3A_232 : memref<1x32768xf32, #tpu.memory_space<vmem>>)
    %dma_start3A_235 = arith.constant 5 : i32
    %dma_start3A_236 = arith.constant 0 : i32
    %dma_start3A_237 = tpu.memref_slice %arg3[%dma_start3A_235, %dma_start3A_236] : memref<16x32768xf32, #tpu.memory_space<any>> -> memref<1x32768xf32, #tpu.memory_space<any>>
    %dma_start3A_238 = arith.constant 5 : i32
    %dma_start3A_239 = arith.constant 0 : i32
    %dma_start3A_240 = tpu.memref_slice %arg4[%dma_start3A_238, %dma_start3A_239] : memref<16x32768xf32, #tpu.memory_space<vmem>> -> memref<1x32768xf32, #tpu.memory_space<vmem>>
    tpu.enqueue_dma source(%dma_start3A_240 : memref<1x32768xf32, #tpu.memory_space<vmem>>) target(%dma_start3A_237 : memref<1x32768xf32, #tpu.memory_space<any>>) target_semaphore(%arg6 : memref<!tpu.dma_semaphore, #tpu.memory_space<semaphore_mem>>)
    %dma_wait3A_241 = arith.constant 6 : i32
    %dma_wait3A_242 = tpu.memref_slice %arg5[%dma_wait3A_241] : memref<16x!tpu.dma_semaphore, #tpu.memory_space<semaphore_mem>> -> memref<1x!tpu.dma_semaphore, #tpu.memory_space<semaphore_mem>>
    %dma_wait3A_243 = tpu.memref_squeeze %dma_wait3A_242 : memref<1x!tpu.dma_semaphore, #tpu.memory_space<semaphore_mem>> -> memref<!tpu.dma_semaphore, #tpu.memory_space<semaphore_mem>>
    %dma_wait3A_244 = arith.constant 6 : i32
    %dma_wait3A_245 = arith.constant 0 : i32
    %dma_wait3A_246 = tpu.memref_slice %arg4[%dma_wait3A_244, %dma_wait3A_245] : memref<16x32768xf32, #tpu.memory_space<vmem>> -> memref<1x32768xf32, #tpu.memory_space<vmem>>
    %dma_wait3A_247 = arith.constant 0 : i32
    %dma_wait3A_248 = tpu.memref_slice %arg2[%get3A_12, %dma_wait3A_247] : memref<128x32768xf32, #tpu.memory_space<any>> -> memref<1x32768xf32, #tpu.memory_space<any>>
    tpu.wait_dma2 semaphore(%dma_wait3A_243 : memref<!tpu.dma_semaphore, #tpu.memory_space<semaphore_mem>>) src(%dma_wait3A_248 : memref<1x32768xf32, #tpu.memory_space<any>>) dst(%dma_wait3A_246 : memref<1x32768xf32, #tpu.memory_space<vmem>>)
    %dma_start3A_249 = arith.constant 6 : i32
    %dma_start3A_250 = arith.constant 0 : i32
    %dma_start3A_251 = tpu.memref_slice %arg3[%dma_start3A_249, %dma_start3A_250] : memref<16x32768xf32, #tpu.memory_space<any>> -> memref<1x32768xf32, #tpu.memory_space<any>>
    %dma_start3A_252 = arith.constant 6 : i32
    %dma_start3A_253 = arith.constant 0 : i32
    %dma_start3A_254 = tpu.memref_slice %arg4[%dma_start3A_252, %dma_start3A_253] : memref<16x32768xf32, #tpu.memory_space<vmem>> -> memref<1x32768xf32, #tpu.memory_space<vmem>>
    tpu.enqueue_dma source(%dma_start3A_254 : memref<1x32768xf32, #tpu.memory_space<vmem>>) target(%dma_start3A_251 : memref<1x32768xf32, #tpu.memory_space<any>>) target_semaphore(%arg6 : memref<!tpu.dma_semaphore, #tpu.memory_space<semaphore_mem>>)
    %dma_wait3A_255 = arith.constant 7 : i32
    %dma_wait3A_256 = tpu.memref_slice %arg5[%dma_wait3A_255] : memref<16x!tpu.dma_semaphore, #tpu.memory_space<semaphore_mem>> -> memref<1x!tpu.dma_semaphore, #tpu.memory_space<semaphore_mem>>
    %dma_wait3A_257 = tpu.memref_squeeze %dma_wait3A_256 : memref<1x!tpu.dma_semaphore, #tpu.memory_space<semaphore_mem>> -> memref<!tpu.dma_semaphore, #tpu.memory_space<semaphore_mem>>
    %dma_wait3A_258 = arith.constant 7 : i32
    %dma_wait3A_259 = arith.constant 0 : i32
    %dma_wait3A_260 = tpu.memref_slice %arg4[%dma_wait3A_258, %dma_wait3A_259] : memref<16x32768xf32, #tpu.memory_space<vmem>> -> memref<1x32768xf32, #tpu.memory_space<vmem>>
    %dma_wait3A_261 = arith.constant 0 : i32
    %dma_wait3A_262 = tpu.memref_slice %arg2[%get3A_14, %dma_wait3A_261] : memref<128x32768xf32, #tpu.memory_space<any>> -> memref<1x32768xf32, #tpu.memory_space<any>>
    tpu.wait_dma2 semaphore(%dma_wait3A_257 : memref<!tpu.dma_semaphore, #tpu.memory_space<semaphore_mem>>) src(%dma_wait3A_262 : memref<1x32768xf32, #tpu.memory_space<any>>) dst(%dma_wait3A_260 : memref<1x32768xf32, #tpu.memory_space<vmem>>)
    %dma_start3A_263 = arith.constant 7 : i32
    %dma_start3A_264 = arith.constant 0 : i32
    %dma_start3A_265 = tpu.memref_slice %arg3[%dma_start3A_263, %dma_start3A_264] : memref<16x32768xf32, #tpu.memory_space<any>> -> memref<1x32768xf32, #tpu.memory_space<any>>
    %dma_start3A_266 = arith.constant 7 : i32
    %dma_start3A_267 = arith.constant 0 : i32
    %dma_start3A_268 = tpu.memref_slice %arg4[%dma_start3A_266, %dma_start3A_267] : memref<16x32768xf32, #tpu.memory_space<vmem>> -> memref<1x32768xf32, #tpu.memory_space<vmem>>
    tpu.enqueue_dma source(%dma_start3A_268 : memref<1x32768xf32, #tpu.memory_space<vmem>>) target(%dma_start3A_265 : memref<1x32768xf32, #tpu.memory_space<any>>) target_semaphore(%arg6 : memref<!tpu.dma_semaphore, #tpu.memory_space<semaphore_mem>>)
    %dma_wait3A_269 = arith.constant 8 : i32
    %dma_wait3A_270 = tpu.memref_slice %arg5[%dma_wait3A_269] : memref<16x!tpu.dma_semaphore, #tpu.memory_space<semaphore_mem>> -> memref<1x!tpu.dma_semaphore, #tpu.memory_space<semaphore_mem>>
    %dma_wait3A_271 = tpu.memref_squeeze %dma_wait3A_270 : memref<1x!tpu.dma_semaphore, #tpu.memory_space<semaphore_mem>> -> memref<!tpu.dma_semaphore, #tpu.memory_space<semaphore_mem>>
    %dma_wait3A_272 = arith.constant 8 : i32
    %dma_wait3A_273 = arith.constant 0 : i32
    %dma_wait3A_274 = tpu.memref_slice %arg4[%dma_wait3A_272, %dma_wait3A_273] : memref<16x32768xf32, #tpu.memory_space<vmem>> -> memref<1x32768xf32, #tpu.memory_space<vmem>>
    %dma_wait3A_275 = arith.constant 0 : i32
    %dma_wait3A_276 = tpu.memref_slice %arg2[%get3A_16, %dma_wait3A_275] : memref<128x32768xf32, #tpu.memory_space<any>> -> memref<1x32768xf32, #tpu.memory_space<any>>
    tpu.wait_dma2 semaphore(%dma_wait3A_271 : memref<!tpu.dma_semaphore, #tpu.memory_space<semaphore_mem>>) src(%dma_wait3A_276 : memref<1x32768xf32, #tpu.memory_space<any>>) dst(%dma_wait3A_274 : memref<1x32768xf32, #tpu.memory_space<vmem>>)
    %dma_start3A_277 = arith.constant 8 : i32
    %dma_start3A_278 = arith.constant 0 : i32
    %dma_start3A_279 = tpu.memref_slice %arg3[%dma_start3A_277, %dma_start3A_278] : memref<16x32768xf32, #tpu.memory_space<any>> -> memref<1x32768xf32, #tpu.memory_space<any>>
    %dma_start3A_280 = arith.constant 8 : i32
    %dma_start3A_281 = arith.constant 0 : i32
    %dma_start3A_282 = tpu.memref_slice %arg4[%dma_start3A_280, %dma_start3A_281] : memref<16x32768xf32, #tpu.memory_space<vmem>> -> memref<1x32768xf32, #tpu.memory_space<vmem>>
    tpu.enqueue_dma source(%dma_start3A_282 : memref<1x32768xf32, #tpu.memory_space<vmem>>) target(%dma_start3A_279 : memref<1x32768xf32, #tpu.memory_space<any>>) target_semaphore(%arg6 : memref<!tpu.dma_semaphore, #tpu.memory_space<semaphore_mem>>)
    %dma_wait3A_283 = arith.constant 9 : i32
    %dma_wait3A_284 = tpu.memref_slice %arg5[%dma_wait3A_283] : memref<16x!tpu.dma_semaphore, #tpu.memory_space<semaphore_mem>> -> memref<1x!tpu.dma_semaphore, #tpu.memory_space<semaphore_mem>>
    %dma_wait3A_285 = tpu.memref_squeeze %dma_wait3A_284 : memref<1x!tpu.dma_semaphore, #tpu.memory_space<semaphore_mem>> -> memref<!tpu.dma_semaphore, #tpu.memory_space<semaphore_mem>>
    %dma_wait3A_286 = arith.constant 9 : i32
    %dma_wait3A_287 = arith.constant 0 : i32
    %dma_wait3A_288 = tpu.memref_slice %arg4[%dma_wait3A_286, %dma_wait3A_287] : memref<16x32768xf32, #tpu.memory_space<vmem>> -> memref<1x32768xf32, #tpu.memory_space<vmem>>
    %dma_wait3A_289 = arith.constant 0 : i32
    %dma_wait3A_290 = tpu.memref_slice %arg2[%get3A_18, %dma_wait3A_289] : memref<128x32768xf32, #tpu.memory_space<any>> -> memref<1x32768xf32, #tpu.memory_space<any>>
    tpu.wait_dma2 semaphore(%dma_wait3A_285 : memref<!tpu.dma_semaphore, #tpu.memory_space<semaphore_mem>>) src(%dma_wait3A_290 : memref<1x32768xf32, #tpu.memory_space<any>>) dst(%dma_wait3A_288 : memref<1x32768xf32, #tpu.memory_space<vmem>>)
    %dma_start3A_291 = arith.constant 9 : i32
    %dma_start3A_292 = arith.constant 0 : i32
    %dma_start3A_293 = tpu.memref_slice %arg3[%dma_start3A_291, %dma_start3A_292] : memref<16x32768xf32, #tpu.memory_space<any>> -> memref<1x32768xf32, #tpu.memory_space<any>>
    %dma_start3A_294 = arith.constant 9 : i32
    %dma_start3A_295 = arith.constant 0 : i32
    %dma_start3A_296 = tpu.memref_slice %arg4[%dma_start3A_294, %dma_start3A_295] : memref<16x32768xf32, #tpu.memory_space<vmem>> -> memref<1x32768xf32, #tpu.memory_space<vmem>>
    tpu.enqueue_dma source(%dma_start3A_296 : memref<1x32768xf32, #tpu.memory_space<vmem>>) target(%dma_start3A_293 : memref<1x32768xf32, #tpu.memory_space<any>>) target_semaphore(%arg6 : memref<!tpu.dma_semaphore, #tpu.memory_space<semaphore_mem>>)
    %dma_wait3A_297 = arith.constant 10 : i32
    %dma_wait3A_298 = tpu.memref_slice %arg5[%dma_wait3A_297] : memref<16x!tpu.dma_semaphore, #tpu.memory_space<semaphore_mem>> -> memref<1x!tpu.dma_semaphore, #tpu.memory_space<semaphore_mem>>
    %dma_wait3A_299 = tpu.memref_squeeze %dma_wait3A_298 : memref<1x!tpu.dma_semaphore, #tpu.memory_space<semaphore_mem>> -> memref<!tpu.dma_semaphore, #tpu.memory_space<semaphore_mem>>
    %dma_wait3A_300 = arith.constant 10 : i32
    %dma_wait3A_301 = arith.constant 0 : i32
    %dma_wait3A_302 = tpu.memref_slice %arg4[%dma_wait3A_300, %dma_wait3A_301] : memref<16x32768xf32, #tpu.memory_space<vmem>> -> memref<1x32768xf32, #tpu.memory_space<vmem>>
    %dma_wait3A_303 = arith.constant 0 : i32
    %dma_wait3A_304 = tpu.memref_slice %arg2[%get3A_20, %dma_wait3A_303] : memref<128x32768xf32, #tpu.memory_space<any>> -> memref<1x32768xf32, #tpu.memory_space<any>>
    tpu.wait_dma2 semaphore(%dma_wait3A_299 : memref<!tpu.dma_semaphore, #tpu.memory_space<semaphore_mem>>) src(%dma_wait3A_304 : memref<1x32768xf32, #tpu.memory_space<any>>) dst(%dma_wait3A_302 : memref<1x32768xf32, #tpu.memory_space<vmem>>)
    %dma_start3A_305 = arith.constant 10 : i32
    %dma_start3A_306 = arith.constant 0 : i32
    %dma_start3A_307 = tpu.memref_slice %arg3[%dma_start3A_305, %dma_start3A_306] : memref<16x32768xf32, #tpu.memory_space<any>> -> memref<1x32768xf32, #tpu.memory_space<any>>
    %dma_start3A_308 = arith.constant 10 : i32
    %dma_start3A_309 = arith.constant 0 : i32
    %dma_start3A_310 = tpu.memref_slice %arg4[%dma_start3A_308, %dma_start3A_309] : memref<16x32768xf32, #tpu.memory_space<vmem>> -> memref<1x32768xf32, #tpu.memory_space<vmem>>
    tpu.enqueue_dma source(%dma_start3A_310 : memref<1x32768xf32, #tpu.memory_space<vmem>>) target(%dma_start3A_307 : memref<1x32768xf32, #tpu.memory_space<any>>) target_semaphore(%arg6 : memref<!tpu.dma_semaphore, #tpu.memory_space<semaphore_mem>>)
    %dma_wait3A_311 = arith.constant 11 : i32
    %dma_wait3A_312 = tpu.memref_slice %arg5[%dma_wait3A_311] : memref<16x!tpu.dma_semaphore, #tpu.memory_space<semaphore_mem>> -> memref<1x!tpu.dma_semaphore, #tpu.memory_space<semaphore_mem>>
    %dma_wait3A_313 = tpu.memref_squeeze %dma_wait3A_312 : memref<1x!tpu.dma_semaphore, #tpu.memory_space<semaphore_mem>> -> memref<!tpu.dma_semaphore, #tpu.memory_space<semaphore_mem>>
    %dma_wait3A_314 = arith.constant 11 : i32
    %dma_wait3A_315 = arith.constant 0 : i32
    %dma_wait3A_316 = tpu.memref_slice %arg4[%dma_wait3A_314, %dma_wait3A_315] : memref<16x32768xf32, #tpu.memory_space<vmem>> -> memref<1x32768xf32, #tpu.memory_space<vmem>>
    %dma_wait3A_317 = arith.constant 0 : i32
    %dma_wait3A_318 = tpu.memref_slice %arg2[%get3A_22, %dma_wait3A_317] : memref<128x32768xf32, #tpu.memory_space<any>> -> memref<1x32768xf32, #tpu.memory_space<any>>
    tpu.wait_dma2 semaphore(%dma_wait3A_313 : memref<!tpu.dma_semaphore, #tpu.memory_space<semaphore_mem>>) src(%dma_wait3A_318 : memref<1x32768xf32, #tpu.memory_space<any>>) dst(%dma_wait3A_316 : memref<1x32768xf32, #tpu.memory_space<vmem>>)
    %dma_start3A_319 = arith.constant 11 : i32
    %dma_start3A_320 = arith.constant 0 : i32
    %dma_start3A_321 = tpu.memref_slice %arg3[%dma_start3A_319, %dma_start3A_320] : memref<16x32768xf32, #tpu.memory_space<any>> -> memref<1x32768xf32, #tpu.memory_space<any>>
    %dma_start3A_322 = arith.constant 11 : i32
    %dma_start3A_323 = arith.constant 0 : i32
    %dma_start3A_324 = tpu.memref_slice %arg4[%dma_start3A_322, %dma_start3A_323] : memref<16x32768xf32, #tpu.memory_space<vmem>> -> memref<1x32768xf32, #tpu.memory_space<vmem>>
    tpu.enqueue_dma source(%dma_start3A_324 : memref<1x32768xf32, #tpu.memory_space<vmem>>) target(%dma_start3A_321 : memref<1x32768xf32, #tpu.memory_space<any>>) target_semaphore(%arg6 : memref<!tpu.dma_semaphore, #tpu.memory_space<semaphore_mem>>)
    %dma_wait3A_325 = arith.constant 12 : i32
    %dma_wait3A_326 = tpu.memref_slice %arg5[%dma_wait3A_325] : memref<16x!tpu.dma_semaphore, #tpu.memory_space<semaphore_mem>> -> memref<1x!tpu.dma_semaphore, #tpu.memory_space<semaphore_mem>>
    %dma_wait3A_327 = tpu.memref_squeeze %dma_wait3A_326 : memref<1x!tpu.dma_semaphore, #tpu.memory_space<semaphore_mem>> -> memref<!tpu.dma_semaphore, #tpu.memory_space<semaphore_mem>>
    %dma_wait3A_328 = arith.constant 12 : i32
    %dma_wait3A_329 = arith.constant 0 : i32
    %dma_wait3A_330 = tpu.memref_slice %arg4[%dma_wait3A_328, %dma_wait3A_329] : memref<16x32768xf32, #tpu.memory_space<vmem>> -> memref<1x32768xf32, #tpu.memory_space<vmem>>
    %dma_wait3A_331 = arith.constant 0 : i32
    %dma_wait3A_332 = tpu.memref_slice %arg2[%get3A_24, %dma_wait3A_331] : memref<128x32768xf32, #tpu.memory_space<any>> -> memref<1x32768xf32, #tpu.memory_space<any>>
    tpu.wait_dma2 semaphore(%dma_wait3A_327 : memref<!tpu.dma_semaphore, #tpu.memory_space<semaphore_mem>>) src(%dma_wait3A_332 : memref<1x32768xf32, #tpu.memory_space<any>>) dst(%dma_wait3A_330 : memref<1x32768xf32, #tpu.memory_space<vmem>>)
    %dma_start3A_333 = arith.constant 12 : i32
    %dma_start3A_334 = arith.constant 0 : i32
    %dma_start3A_335 = tpu.memref_slice %arg3[%dma_start3A_333, %dma_start3A_334] : memref<16x32768xf32, #tpu.memory_space<any>> -> memref<1x32768xf32, #tpu.memory_space<any>>
    %dma_start3A_336 = arith.constant 12 : i32
    %dma_start3A_337 = arith.constant 0 : i32
    %dma_start3A_338 = tpu.memref_slice %arg4[%dma_start3A_336, %dma_start3A_337] : memref<16x32768xf32, #tpu.memory_space<vmem>> -> memref<1x32768xf32, #tpu.memory_space<vmem>>
    tpu.enqueue_dma source(%dma_start3A_338 : memref<1x32768xf32, #tpu.memory_space<vmem>>) target(%dma_start3A_335 : memref<1x32768xf32, #tpu.memory_space<any>>) target_semaphore(%arg6 : memref<!tpu.dma_semaphore, #tpu.memory_space<semaphore_mem>>)
    %dma_wait3A_339 = arith.constant 13 : i32
    %dma_wait3A_340 = tpu.memref_slice %arg5[%dma_wait3A_339] : memref<16x!tpu.dma_semaphore, #tpu.memory_space<semaphore_mem>> -> memref<1x!tpu.dma_semaphore, #tpu.memory_space<semaphore_mem>>
    %dma_wait3A_341 = tpu.memref_squeeze %dma_wait3A_340 : memref<1x!tpu.dma_semaphore, #tpu.memory_space<semaphore_mem>> -> memref<!tpu.dma_semaphore, #tpu.memory_space<semaphore_mem>>
    %dma_wait3A_342 = arith.constant 13 : i32
    %dma_wait3A_343 = arith.constant 0 : i32
    %dma_wait3A_344 = tpu.memref_slice %arg4[%dma_wait3A_342, %dma_wait3A_343] : memref<16x32768xf32, #tpu.memory_space<vmem>> -> memref<1x32768xf32, #tpu.memory_space<vmem>>
    %dma_wait3A_345 = arith.constant 0 : i32
    %dma_wait3A_346 = tpu.memref_slice %arg2[%get3A_26, %dma_wait3A_345] : memref<128x32768xf32, #tpu.memory_space<any>> -> memref<1x32768xf32, #tpu.memory_space<any>>
    tpu.wait_dma2 semaphore(%dma_wait3A_341 : memref<!tpu.dma_semaphore, #tpu.memory_space<semaphore_mem>>) src(%dma_wait3A_346 : memref<1x32768xf32, #tpu.memory_space<any>>) dst(%dma_wait3A_344 : memref<1x32768xf32, #tpu.memory_space<vmem>>)
    %dma_start3A_347 = arith.constant 13 : i32
    %dma_start3A_348 = arith.constant 0 : i32
    %dma_start3A_349 = tpu.memref_slice %arg3[%dma_start3A_347, %dma_start3A_348] : memref<16x32768xf32, #tpu.memory_space<any>> -> memref<1x32768xf32, #tpu.memory_space<any>>
    %dma_start3A_350 = arith.constant 13 : i32
    %dma_start3A_351 = arith.constant 0 : i32
    %dma_start3A_352 = tpu.memref_slice %arg4[%dma_start3A_350, %dma_start3A_351] : memref<16x32768xf32, #tpu.memory_space<vmem>> -> memref<1x32768xf32, #tpu.memory_space<vmem>>
    tpu.enqueue_dma source(%dma_start3A_352 : memref<1x32768xf32, #tpu.memory_space<vmem>>) target(%dma_start3A_349 : memref<1x32768xf32, #tpu.memory_space<any>>) target_semaphore(%arg6 : memref<!tpu.dma_semaphore, #tpu.memory_space<semaphore_mem>>)
    %dma_wait3A_353 = arith.constant 14 : i32
    %dma_wait3A_354 = tpu.memref_slice %arg5[%dma_wait3A_353] : memref<16x!tpu.dma_semaphore, #tpu.memory_space<semaphore_mem>> -> memref<1x!tpu.dma_semaphore, #tpu.memory_space<semaphore_mem>>
    %dma_wait3A_355 = tpu.memref_squeeze %dma_wait3A_354 : memref<1x!tpu.dma_semaphore, #tpu.memory_space<semaphore_mem>> -> memref<!tpu.dma_semaphore, #tpu.memory_space<semaphore_mem>>
    %dma_wait3A_356 = arith.constant 14 : i32
    %dma_wait3A_357 = arith.constant 0 : i32
    %dma_wait3A_358 = tpu.memref_slice %arg4[%dma_wait3A_356, %dma_wait3A_357] : memref<16x32768xf32, #tpu.memory_space<vmem>> -> memref<1x32768xf32, #tpu.memory_space<vmem>>
    %dma_wait3A_359 = arith.constant 0 : i32
    %dma_wait3A_360 = tpu.memref_slice %arg2[%get3A_28, %dma_wait3A_359] : memref<128x32768xf32, #tpu.memory_space<any>> -> memref<1x32768xf32, #tpu.memory_space<any>>
    tpu.wait_dma2 semaphore(%dma_wait3A_355 : memref<!tpu.dma_semaphore, #tpu.memory_space<semaphore_mem>>) src(%dma_wait3A_360 : memref<1x32768xf32, #tpu.memory_space<any>>) dst(%dma_wait3A_358 : memref<1x32768xf32, #tpu.memory_space<vmem>>)
    %dma_start3A_361 = arith.constant 14 : i32
    %dma_start3A_362 = arith.constant 0 : i32
    %dma_start3A_363 = tpu.memref_slice %arg3[%dma_start3A_361, %dma_start3A_362] : memref<16x32768xf32, #tpu.memory_space<any>> -> memref<1x32768xf32, #tpu.memory_space<any>>
    %dma_start3A_364 = arith.constant 14 : i32
    %dma_start3A_365 = arith.constant 0 : i32
    %dma_start3A_366 = tpu.memref_slice %arg4[%dma_start3A_364, %dma_start3A_365] : memref<16x32768xf32, #tpu.memory_space<vmem>> -> memref<1x32768xf32, #tpu.memory_space<vmem>>
    tpu.enqueue_dma source(%dma_start3A_366 : memref<1x32768xf32, #tpu.memory_space<vmem>>) target(%dma_start3A_363 : memref<1x32768xf32, #tpu.memory_space<any>>) target_semaphore(%arg6 : memref<!tpu.dma_semaphore, #tpu.memory_space<semaphore_mem>>)
    %dma_wait3A_367 = arith.constant 15 : i32
    %dma_wait3A_368 = tpu.memref_slice %arg5[%dma_wait3A_367] : memref<16x!tpu.dma_semaphore, #tpu.memory_space<semaphore_mem>> -> memref<1x!tpu.dma_semaphore, #tpu.memory_space<semaphore_mem>>
    %dma_wait3A_369 = tpu.memref_squeeze %dma_wait3A_368 : memref<1x!tpu.dma_semaphore, #tpu.memory_space<semaphore_mem>> -> memref<!tpu.dma_semaphore, #tpu.memory_space<semaphore_mem>>
    %dma_wait3A_370 = arith.constant 15 : i32
    %dma_wait3A_371 = arith.constant 0 : i32
    %dma_wait3A_372 = tpu.memref_slice %arg4[%dma_wait3A_370, %dma_wait3A_371] : memref<16x32768xf32, #tpu.memory_space<vmem>> -> memref<1x32768xf32, #tpu.memory_space<vmem>>
    %dma_wait3A_373 = arith.constant 0 : i32
    %dma_wait3A_374 = tpu.memref_slice %arg2[%get3A_30, %dma_wait3A_373] : memref<128x32768xf32, #tpu.memory_space<any>> -> memref<1x32768xf32, #tpu.memory_space<any>>
    tpu.wait_dma2 semaphore(%dma_wait3A_369 : memref<!tpu.dma_semaphore, #tpu.memory_space<semaphore_mem>>) src(%dma_wait3A_374 : memref<1x32768xf32, #tpu.memory_space<any>>) dst(%dma_wait3A_372 : memref<1x32768xf32, #tpu.memory_space<vmem>>)
    %dma_start3A_375 = arith.constant 15 : i32
    %dma_start3A_376 = arith.constant 0 : i32
    %dma_start3A_377 = tpu.memref_slice %arg3[%dma_start3A_375, %dma_start3A_376] : memref<16x32768xf32, #tpu.memory_space<any>> -> memref<1x32768xf32, #tpu.memory_space<any>>
    %dma_start3A_378 = arith.constant 15 : i32
    %dma_start3A_379 = arith.constant 0 : i32
    %dma_start3A_380 = tpu.memref_slice %arg4[%dma_start3A_378, %dma_start3A_379] : memref<16x32768xf32, #tpu.memory_space<vmem>> -> memref<1x32768xf32, #tpu.memory_space<vmem>>
    tpu.enqueue_dma source(%dma_start3A_380 : memref<1x32768xf32, #tpu.memory_space<vmem>>) target(%dma_start3A_377 : memref<1x32768xf32, #tpu.memory_space<any>>) target_semaphore(%arg6 : memref<!tpu.dma_semaphore, #tpu.memory_space<semaphore_mem>>)
    %dma_wait3A_381 = arith.constant 0 : i32
    %dma_wait3A_382 = arith.constant 0 : i32
    %dma_wait3A_383 = tpu.memref_slice %arg3[%dma_wait3A_381, %dma_wait3A_382] : memref<16x32768xf32, #tpu.memory_space<any>> -> memref<1x32768xf32, #tpu.memory_space<any>>
    %dma_wait3A_384 = arith.constant 0 : i32
    %dma_wait3A_385 = arith.constant 0 : i32
    %dma_wait3A_386 = tpu.memref_slice %arg4[%dma_wait3A_384, %dma_wait3A_385] : memref<16x32768xf32, #tpu.memory_space<vmem>> -> memref<1x32768xf32, #tpu.memory_space<vmem>>
    tpu.wait_dma2 semaphore(%arg6 : memref<!tpu.dma_semaphore, #tpu.memory_space<semaphore_mem>>) src(%dma_wait3A_386 : memref<1x32768xf32, #tpu.memory_space<vmem>>) dst(%dma_wait3A_383 : memref<1x32768xf32, #tpu.memory_space<any>>)
    %dma_wait3A_387 = arith.constant 1 : i32
    %dma_wait3A_388 = arith.constant 0 : i32
    %dma_wait3A_389 = tpu.memref_slice %arg3[%dma_wait3A_387, %dma_wait3A_388] : memref<16x32768xf32, #tpu.memory_space<any>> -> memref<1x32768xf32, #tpu.memory_space<any>>
    %dma_wait3A_390 = arith.constant 1 : i32
    %dma_wait3A_391 = arith.constant 0 : i32
    %dma_wait3A_392 = tpu.memref_slice %arg4[%dma_wait3A_390, %dma_wait3A_391] : memref<16x32768xf32, #tpu.memory_space<vmem>> -> memref<1x32768xf32, #tpu.memory_space<vmem>>
    tpu.wait_dma2 semaphore(%arg6 : memref<!tpu.dma_semaphore, #tpu.memory_space<semaphore_mem>>) src(%dma_wait3A_392 : memref<1x32768xf32, #tpu.memory_space<vmem>>) dst(%dma_wait3A_389 : memref<1x32768xf32, #tpu.memory_space<any>>)
    %dma_wait3A_393 = arith.constant 2 : i32
    %dma_wait3A_394 = arith.constant 0 : i32
    %dma_wait3A_395 = tpu.memref_slice %arg3[%dma_wait3A_393, %dma_wait3A_394] : memref<16x32768xf32, #tpu.memory_space<any>> -> memref<1x32768xf32, #tpu.memory_space<any>>
    %dma_wait3A_396 = arith.constant 2 : i32
    %dma_wait3A_397 = arith.constant 0 : i32
    %dma_wait3A_398 = tpu.memref_slice %arg4[%dma_wait3A_396, %dma_wait3A_397] : memref<16x32768xf32, #tpu.memory_space<vmem>> -> memref<1x32768xf32, #tpu.memory_space<vmem>>
    tpu.wait_dma2 semaphore(%arg6 : memref<!tpu.dma_semaphore, #tpu.memory_space<semaphore_mem>>) src(%dma_wait3A_398 : memref<1x32768xf32, #tpu.memory_space<vmem>>) dst(%dma_wait3A_395 : memref<1x32768xf32, #tpu.memory_space<any>>)
    %dma_wait3A_399 = arith.constant 3 : i32
    %dma_wait3A_400 = arith.constant 0 : i32
    %dma_wait3A_401 = tpu.memref_slice %arg3[%dma_wait3A_399, %dma_wait3A_400] : memref<16x32768xf32, #tpu.memory_space<any>> -> memref<1x32768xf32, #tpu.memory_space<any>>
    %dma_wait3A_402 = arith.constant 3 : i32
    %dma_wait3A_403 = arith.constant 0 : i32
    %dma_wait3A_404 = tpu.memref_slice %arg4[%dma_wait3A_402, %dma_wait3A_403] : memref<16x32768xf32, #tpu.memory_space<vmem>> -> memref<1x32768xf32, #tpu.memory_space<vmem>>
    tpu.wait_dma2 semaphore(%arg6 : memref<!tpu.dma_semaphore, #tpu.memory_space<semaphore_mem>>) src(%dma_wait3A_404 : memref<1x32768xf32, #tpu.memory_space<vmem>>) dst(%dma_wait3A_401 : memref<1x32768xf32, #tpu.memory_space<any>>)
    %dma_wait3A_405 = arith.constant 4 : i32
    %dma_wait3A_406 = arith.constant 0 : i32
    %dma_wait3A_407 = tpu.memref_slice %arg3[%dma_wait3A_405, %dma_wait3A_406] : memref<16x32768xf32, #tpu.memory_space<any>> -> memref<1x32768xf32, #tpu.memory_space<any>>
    %dma_wait3A_408 = arith.constant 4 : i32
    %dma_wait3A_409 = arith.constant 0 : i32
    %dma_wait3A_410 = tpu.memref_slice %arg4[%dma_wait3A_408, %dma_wait3A_409] : memref<16x32768xf32, #tpu.memory_space<vmem>> -> memref<1x32768xf32, #tpu.memory_space<vmem>>
    tpu.wait_dma2 semaphore(%arg6 : memref<!tpu.dma_semaphore, #tpu.memory_space<semaphore_mem>>) src(%dma_wait3A_410 : memref<1x32768xf32, #tpu.memory_space<vmem>>) dst(%dma_wait3A_407 : memref<1x32768xf32, #tpu.memory_space<any>>)
    %dma_wait3A_411 = arith.constant 5 : i32
    %dma_wait3A_412 = arith.constant 0 : i32
    %dma_wait3A_413 = tpu.memref_slice %arg3[%dma_wait3A_411, %dma_wait3A_412] : memref<16x32768xf32, #tpu.memory_space<any>> -> memref<1x32768xf32, #tpu.memory_space<any>>
    %dma_wait3A_414 = arith.constant 5 : i32
    %dma_wait3A_415 = arith.constant 0 : i32
    %dma_wait3A_416 = tpu.memref_slice %arg4[%dma_wait3A_414, %dma_wait3A_415] : memref<16x32768xf32, #tpu.memory_space<vmem>> -> memref<1x32768xf32, #tpu.memory_space<vmem>>
    tpu.wait_dma2 semaphore(%arg6 : memref<!tpu.dma_semaphore, #tpu.memory_space<semaphore_mem>>) src(%dma_wait3A_416 : memref<1x32768xf32, #tpu.memory_space<vmem>>) dst(%dma_wait3A_413 : memref<1x32768xf32, #tpu.memory_space<any>>)
    %dma_wait3A_417 = arith.constant 6 : i32
    %dma_wait3A_418 = arith.constant 0 : i32
    %dma_wait3A_419 = tpu.memref_slice %arg3[%dma_wait3A_417, %dma_wait3A_418] : memref<16x32768xf32, #tpu.memory_space<any>> -> memref<1x32768xf32, #tpu.memory_space<any>>
    %dma_wait3A_420 = arith.constant 6 : i32
    %dma_wait3A_421 = arith.constant 0 : i32
    %dma_wait3A_422 = tpu.memref_slice %arg4[%dma_wait3A_420, %dma_wait3A_421] : memref<16x32768xf32, #tpu.memory_space<vmem>> -> memref<1x32768xf32, #tpu.memory_space<vmem>>
    tpu.wait_dma2 semaphore(%arg6 : memref<!tpu.dma_semaphore, #tpu.memory_space<semaphore_mem>>) src(%dma_wait3A_422 : memref<1x32768xf32, #tpu.memory_space<vmem>>) dst(%dma_wait3A_419 : memref<1x32768xf32, #tpu.memory_space<any>>)
    %dma_wait3A_423 = arith.constant 7 : i32
    %dma_wait3A_424 = arith.constant 0 : i32
    %dma_wait3A_425 = tpu.memref_slice %arg3[%dma_wait3A_423, %dma_wait3A_424] : memref<16x32768xf32, #tpu.memory_space<any>> -> memref<1x32768xf32, #tpu.memory_space<any>>
    %dma_wait3A_426 = arith.constant 7 : i32
    %dma_wait3A_427 = arith.constant 0 : i32
    %dma_wait3A_428 = tpu.memref_slice %arg4[%dma_wait3A_426, %dma_wait3A_427] : memref<16x32768xf32, #tpu.memory_space<vmem>> -> memref<1x32768xf32, #tpu.memory_space<vmem>>
    tpu.wait_dma2 semaphore(%arg6 : memref<!tpu.dma_semaphore, #tpu.memory_space<semaphore_mem>>) src(%dma_wait3A_428 : memref<1x32768xf32, #tpu.memory_space<vmem>>) dst(%dma_wait3A_425 : memref<1x32768xf32, #tpu.memory_space<any>>)
    %dma_wait3A_429 = arith.constant 8 : i32
    %dma_wait3A_430 = arith.constant 0 : i32
    %dma_wait3A_431 = tpu.memref_slice %arg3[%dma_wait3A_429, %dma_wait3A_430] : memref<16x32768xf32, #tpu.memory_space<any>> -> memref<1x32768xf32, #tpu.memory_space<any>>
    %dma_wait3A_432 = arith.constant 8 : i32
    %dma_wait3A_433 = arith.constant 0 : i32
    %dma_wait3A_434 = tpu.memref_slice %arg4[%dma_wait3A_432, %dma_wait3A_433] : memref<16x32768xf32, #tpu.memory_space<vmem>> -> memref<1x32768xf32, #tpu.memory_space<vmem>>
    tpu.wait_dma2 semaphore(%arg6 : memref<!tpu.dma_semaphore, #tpu.memory_space<semaphore_mem>>) src(%dma_wait3A_434 : memref<1x32768xf32, #tpu.memory_space<vmem>>) dst(%dma_wait3A_431 : memref<1x32768xf32, #tpu.memory_space<any>>)
    %dma_wait3A_435 = arith.constant 9 : i32
    %dma_wait3A_436 = arith.constant 0 : i32
    %dma_wait3A_437 = tpu.memref_slice %arg3[%dma_wait3A_435, %dma_wait3A_436] : memref<16x32768xf32, #tpu.memory_space<any>> -> memref<1x32768xf32, #tpu.memory_space<any>>
    %dma_wait3A_438 = arith.constant 9 : i32
    %dma_wait3A_439 = arith.constant 0 : i32
    %dma_wait3A_440 = tpu.memref_slice %arg4[%dma_wait3A_438, %dma_wait3A_439] : memref<16x32768xf32, #tpu.memory_space<vmem>> -> memref<1x32768xf32, #tpu.memory_space<vmem>>
    tpu.wait_dma2 semaphore(%arg6 : memref<!tpu.dma_semaphore, #tpu.memory_space<semaphore_mem>>) src(%dma_wait3A_440 : memref<1x32768xf32, #tpu.memory_space<vmem>>) dst(%dma_wait3A_437 : memref<1x32768xf32, #tpu.memory_space<any>>)
    %dma_wait3A_441 = arith.constant 10 : i32
    %dma_wait3A_442 = arith.constant 0 : i32
    %dma_wait3A_443 = tpu.memref_slice %arg3[%dma_wait3A_441, %dma_wait3A_442] : memref<16x32768xf32, #tpu.memory_space<any>> -> memref<1x32768xf32, #tpu.memory_space<any>>
    %dma_wait3A_444 = arith.constant 10 : i32
    %dma_wait3A_445 = arith.constant 0 : i32
    %dma_wait3A_446 = tpu.memref_slice %arg4[%dma_wait3A_444, %dma_wait3A_445] : memref<16x32768xf32, #tpu.memory_space<vmem>> -> memref<1x32768xf32, #tpu.memory_space<vmem>>
    tpu.wait_dma2 semaphore(%arg6 : memref<!tpu.dma_semaphore, #tpu.memory_space<semaphore_mem>>) src(%dma_wait3A_446 : memref<1x32768xf32, #tpu.memory_space<vmem>>) dst(%dma_wait3A_443 : memref<1x32768xf32, #tpu.memory_space<any>>)
    %dma_wait3A_447 = arith.constant 11 : i32
    %dma_wait3A_448 = arith.constant 0 : i32
    %dma_wait3A_449 = tpu.memref_slice %arg3[%dma_wait3A_447, %dma_wait3A_448] : memref<16x32768xf32, #tpu.memory_space<any>> -> memref<1x32768xf32, #tpu.memory_space<any>>
    %dma_wait3A_450 = arith.constant 11 : i32
    %dma_wait3A_451 = arith.constant 0 : i32
    %dma_wait3A_452 = tpu.memref_slice %arg4[%dma_wait3A_450, %dma_wait3A_451] : memref<16x32768xf32, #tpu.memory_space<vmem>> -> memref<1x32768xf32, #tpu.memory_space<vmem>>
    tpu.wait_dma2 semaphore(%arg6 : memref<!tpu.dma_semaphore, #tpu.memory_space<semaphore_mem>>) src(%dma_wait3A_452 : memref<1x32768xf32, #tpu.memory_space<vmem>>) dst(%dma_wait3A_449 : memref<1x32768xf32, #tpu.memory_space<any>>)
    %dma_wait3A_453 = arith.constant 12 : i32
    %dma_wait3A_454 = arith.constant 0 : i32
    %dma_wait3A_455 = tpu.memref_slice %arg3[%dma_wait3A_453, %dma_wait3A_454] : memref<16x32768xf32, #tpu.memory_space<any>> -> memref<1x32768xf32, #tpu.memory_space<any>>
    %dma_wait3A_456 = arith.constant 12 : i32
    %dma_wait3A_457 = arith.constant 0 : i32
    %dma_wait3A_458 = tpu.memref_slice %arg4[%dma_wait3A_456, %dma_wait3A_457] : memref<16x32768xf32, #tpu.memory_space<vmem>> -> memref<1x32768xf32, #tpu.memory_space<vmem>>
    tpu.wait_dma2 semaphore(%arg6 : memref<!tpu.dma_semaphore, #tpu.memory_space<semaphore_mem>>) src(%dma_wait3A_458 : memref<1x32768xf32, #tpu.memory_space<vmem>>) dst(%dma_wait3A_455 : memref<1x32768xf32, #tpu.memory_space<any>>)
    %dma_wait3A_459 = arith.constant 13 : i32
    %dma_wait3A_460 = arith.constant 0 : i32
    %dma_wait3A_461 = tpu.memref_slice %arg3[%dma_wait3A_459, %dma_wait3A_460] : memref<16x32768xf32, #tpu.memory_space<any>> -> memref<1x32768xf32, #tpu.memory_space<any>>
    %dma_wait3A_462 = arith.constant 13 : i32
    %dma_wait3A_463 = arith.constant 0 : i32
    %dma_wait3A_464 = tpu.memref_slice %arg4[%dma_wait3A_462, %dma_wait3A_463] : memref<16x32768xf32, #tpu.memory_space<vmem>> -> memref<1x32768xf32, #tpu.memory_space<vmem>>
    tpu.wait_dma2 semaphore(%arg6 : memref<!tpu.dma_semaphore, #tpu.memory_space<semaphore_mem>>) src(%dma_wait3A_464 : memref<1x32768xf32, #tpu.memory_space<vmem>>) dst(%dma_wait3A_461 : memref<1x32768xf32, #tpu.memory_space<any>>)
    %dma_wait3A_465 = arith.constant 14 : i32
    %dma_wait3A_466 = arith.constant 0 : i32
    %dma_wait3A_467 = tpu.memref_slice %arg3[%dma_wait3A_465, %dma_wait3A_466] : memref<16x32768xf32, #tpu.memory_space<any>> -> memref<1x32768xf32, #tpu.memory_space<any>>
    %dma_wait3A_468 = arith.constant 14 : i32
    %dma_wait3A_469 = arith.constant 0 : i32
    %dma_wait3A_470 = tpu.memref_slice %arg4[%dma_wait3A_468, %dma_wait3A_469] : memref<16x32768xf32, #tpu.memory_space<vmem>> -> memref<1x32768xf32, #tpu.memory_space<vmem>>
    tpu.wait_dma2 semaphore(%arg6 : memref<!tpu.dma_semaphore, #tpu.memory_space<semaphore_mem>>) src(%dma_wait3A_470 : memref<1x32768xf32, #tpu.memory_space<vmem>>) dst(%dma_wait3A_467 : memref<1x32768xf32, #tpu.memory_space<any>>)
    %dma_wait3A_471 = arith.constant 15 : i32
    %dma_wait3A_472 = arith.constant 0 : i32
    %dma_wait3A_473 = tpu.memref_slice %arg3[%dma_wait3A_471, %dma_wait3A_472] : memref<16x32768xf32, #tpu.memory_space<any>> -> memref<1x32768xf32, #tpu.memory_space<any>>
    %dma_wait3A_474 = arith.constant 15 : i32
    %dma_wait3A_475 = arith.constant 0 : i32
    %dma_wait3A_476 = tpu.memref_slice %arg4[%dma_wait3A_474, %dma_wait3A_475] : memref<16x32768xf32, #tpu.memory_space<vmem>> -> memref<1x32768xf32, #tpu.memory_space<vmem>>
    tpu.wait_dma2 semaphore(%arg6 : memref<!tpu.dma_semaphore, #tpu.memory_space<semaphore_mem>>) src(%dma_wait3A_476 : memref<1x32768xf32, #tpu.memory_space<vmem>>) dst(%dma_wait3A_473 : memref<1x32768xf32, #tpu.memory_space<any>>)
    return
  }
}

</mosaic_0001>

<sc_bundles>
// kernel: kernel.5.cloned.1.call-start
scs
__scs_entry_jumppad:
0x0: {  	(pc) =	sbr.rel $0x88, $3  }
0x1: {  	(tag) =	ssettag $0x0;
	lr =	simm.s32 $0x1  }
0x2: {  	[smem:$0x3FA0] =	sst lr;
	_ =	strace $0xD0000000  }
0x3: {  	_ = 	snop  }
0x4: {  	_ = 	snop  }
0x5: {  	_ = 	snop  }
0x6: {  	_ = 	snop  }
0x7: {  	_ = 	snop  }
__scs_overlays_trampoline_lowered:
0x8: {  	[smem:$0x3FAF] =	sst s0  }
0x9: {  	[smem:$0x3FB0] =	sst s1  }
0xa: {  	[smem:$0x3FB1] =	sst s2  }
0xb: {  	[smem:$0x3FB2] =	sst s3  }
0xc: {  	[smem:$0x3FB3] =	sst s4  }
0xd: {  	[smem:$0x3FB4] =	sst s5  }
0xe: {  	[smem:$0x3FB5] =	sst s6  }
0xf: {  	[smem:$0x3FB6] =	sst s7  }
0x10: {  	[smem:$0x3FB7] =	sst s8  }
0x11: {  	[smem:$0x3FB8] =	sst s9;
	s0 =	simm.s32 @!p0 $0x0  }
0x12: {  	s1 =	sld [smem:$0x3F9E];
	s0 =	simm.s32 @p0 $0x1  }
0x13: {  	[smem:$0x3FB9] =	sst s0;
	s0 =	simm.s32 @!p1 $0x0  }
0x14: {  	s2 =	sld [smem:$0x3F9D];
	s0 =	simm.s32 @p1 $0x1  }
0x15: {  	[smem:$0x3FBA] =	sst s0;
	s0 =	simm.s32 @!p2 $0x0  }
0x16: {  	s3 =	sld [smem:$0x3FDB];
	s0 =	simm.s32 @p2 $0x1  }
0x17: {  	s4 =	simm.s32 $0x1BF5;
	[smem:$0x3FBC] =	sst s0  }
0x18: {  	s0 =	sld [smem:$0x3F9F];
	_ =	swait.ge [sflag:s4], $0x0  }
0x19: {  	s7 =	sld [smem:$0x3FA0]  }
0x1a: {  	s8 =	sadd.s32 $0xFFFFE003, lr  }
0x1b: {  	s9 =	sadd.s32 $0xFFFFFEF7, lr;
	s5 =	simm.s32 $0xFFFFFFFF;
	p2 =	slt.u32 s8, $0xFFFFF086  }
0x1c: {  	p1 =	slt.u32 s9, $0xF7A;
	s5 =	simm.s32 @!p2 $0x0  }
0x1d: {  	s5 =	simm.s32 @p1 $0x1;
	p0 =	seq.s32 s7, s2  }
0x1e: {  	s7 =	smul.u32 @!p0 $0xF7A, s2;
	p2 =	seq.s32 @!p0 s5, $0x0  }
0x1f: {  	s9 =	smul.u32 $0xF7A, s1;
	s8 =	simm.s32 @!p0 $0x1BF5;
	p2 =	por !p2, p0  }
0x20: {  	[sflag:s8] =	ssyncset.s32 @!p0 $0xFFFFF086;
	s6 =	sadd.s32 @!p0 s3, s7;
	s7 =	simm.s32 @!p0 $0x108  }
0x21: {  	s3 =	sadd.s32 s3, s9;
	s6 =	sadd.s32 @!p0 $0x88, s6;
	s7 =	simm.s32 @p2 $0x1082  }
0x22: {  	[simem:s7], [sflag:s8] =	dma.local @!p0 [hbm:s6], $0xF7A  }
0x23: {  	s9 =	sor.u32 $0xD0000000, s2;
	s6 =	simm.s32 $0x108;
	_ =	swait.ge @!p0 [sflag:s8], $0x0  }
0x24: {  	s3 =	sadd.s32 $0x88, s3;
	s6 =	simm.s32 @!p1 $0x1082;
	[sflag:s4] =	ssyncset.s32 $0xFFFFF086  }
0x25: {  	[simem:s6], [sflag:s4] =	dma.local [hbm:s3], $0xF7A  }
0x26: {  	[smem:$0x3FA0] =	sst s1;
	(tag) =	ssettag s2;
	_ =	strace s9  }
0x27: {  	s1 =	sld [smem:$0x3FB0]  }
0x28: {  	s2 =	sld [smem:$0x3FB1]  }
0x29: {  	s4 =	sld [smem:$0x3FB3]  }
0x2a: {  	p0 =	seq.s32 s5, $0x0;
	s5 =	sld [smem:$0x3FB4]  }
0x2b: {  	s6 =	sld [smem:$0x3FB5]  }
0x2c: {  	s7 =	sld [smem:$0x3FB6]  }
0x2d: {  	s3 =	simm.s32 $0x108;
	s8 =	sld [smem:$0x3FB7]  }
0x2e: {  	s3 =	simm.s32 @!p0 $0x1082;
	s9 =	sld [smem:$0x3FB8]  }
0x2f: {  	lr =	sadd.s32 s0, s3;
	s0 =	sld [smem:$0x3FAF]  }
0x30: {  	s3 =	sld [smem:$0x3FB2]  }
0x31: {  	[smem:$0x3FBB] =	sst s10  }
0x32: {  	s10 =	sld [smem:$0x3FB9];
	_ =	sdelay $0x3  }
0x33: {  	p0 =	seq.s32 s10, $0x1;
	s10 =	sld [smem:$0x3FBB];
	_ =	sdelay $0x3  }
0x34: {  	[smem:$0x3FBB] =	sst s10  }
0x35: {  	s10 =	sld [smem:$0x3FBA];
	_ =	sdelay $0x3  }
0x36: {  	p1 =	seq.s32 s10, $0x1;
	s10 =	sld [smem:$0x3FBB];
	_ =	sdelay $0x3  }
0x37: {  	[smem:$0x3FBB] =	sst s10  }
0x38: {  	s10 =	sld [smem:$0x3FBC]  }
0x39: {  	_ = 	snop;
	(pc) =	sbr.ind lr, $3  }
0x3a: {  	_ = 	snop  }
0x3b: {  	_ = 	snop  }
0x3c: {  	p2 =	seq.s32 s10, $0x1;
	s10 =	sld [smem:$0x3FBB]  }
0x3d: {  	_ =	shalt  }
0x3e: {  	_ =	shalt  }
0x3f: {  	_ =	shalt  }
0x40: {  	_ =	shalt  }
0x41: {  	_ =	shalt  }
0x42: {  	_ =	shalt  }
0x43: {  	_ =	shalt  }
0x44: {  	_ =	shalt  }
0x45: {  	_ =	shalt  }
0x46: {  	_ =	shalt  }
0x47: {  	_ =	shalt  }
0x48: {  	_ =	shalt  }
0x49: {  	_ =	shalt  }
0x4a: {  	_ =	shalt  }
0x4b: {  	_ =	shalt  }
0x4c: {  	_ =	shalt  }
0x4d: {  	_ =	shalt  }
0x4e: {  	_ =	shalt  }
0x4f: {  	_ =	shalt  }
0x50: {  	_ =	shalt  }
0x51: {  	_ =	shalt  }
0x52: {  	_ =	shalt  }
0x53: {  	_ =	shalt  }
0x54: {  	_ =	shalt  }
0x55: {  	_ =	shalt  }
0x56: {  	_ =	shalt  }
0x57: {  	_ =	shalt  }
0x58: {  	_ =	shalt  }
0x59: {  	_ =	shalt  }
0x5a: {  	_ =	shalt  }
0x5b: {  	_ =	shalt  }
0x5c: {  	_ =	shalt  }
0x5d: {  	_ =	shalt  }
0x5e: {  	_ =	shalt  }
0x5f: {  	_ =	shalt  }
0x60: {  	_ =	shalt  }
0x61: {  	_ =	shalt  }
0x62: {  	_ =	shalt  }
0x63: {  	_ =	shalt  }
0x64: {  	_ =	shalt  }
0x65: {  	_ =	shalt  }
0x66: {  	_ =	shalt  }
0x67: {  	_ =	shalt  }
0x68: {  	_ =	shalt  }
0x69: {  	_ =	shalt  }
0x6a: {  	_ =	shalt  }
0x6b: {  	_ =	shalt  }
0x6c: {  	_ =	shalt  }
0x6d: {  	_ =	shalt  }
0x6e: {  	_ =	shalt  }
0x6f: {  	_ =	shalt  }
0x70: {  	_ =	shalt  }
0x71: {  	_ =	shalt  }
0x72: {  	_ =	shalt  }
0x73: {  	_ =	shalt  }
0x74: {  	_ =	shalt  }
0x75: {  	_ =	shalt  }
0x76: {  	_ =	shalt  }
0x77: {  	_ =	shalt  }
0x78: {  	_ =	shalt  }
0x79: {  	_ =	shalt  }
0x7a: {  	_ =	shalt  }
0x7b: {  	_ =	shalt  }
0x7c: {  	_ =	shalt  }
0x7d: {  	_ =	shalt  }
0x7e: {  	_ =	shalt  }
0x7f: {  	_ =	shalt  }
0x80: {  	_ =	shalt  }
0x81: {  	_ =	shalt  }
0x82: {  	_ =	shalt  }
0x83: {  	_ =	shalt  }
0x84: {  	_ =	shalt  }
0x85: {  	_ =	shalt  }
0x86: {  	_ =	shalt  }
0x87: {  	_ =	shalt  }
.Lfunc_end0:
.L_simem_size_0:
called_computation_lowered:
.L_overlay_start_0:
0x88: {  	s0 =	sld [smem:$0x3FD9]  }
0x89: {  	s1 =	sld [smem:$0x3FFE];
	_ =	sdelay $0x3  }
0x8a: {  	s0 =	sadd.s32 s1, s0  }
0x8b: {  	[smem:$0x3FC7] =	sst s0  }
0x8c: {  	_ = 	snop  }
0x8d: {  	s0 =	sld [smem:$0x3FD0];
	_ =	sdelay $0x2  }
0x8e: {  	s13 =	simm.s32 $0xA;
	s2 =	simm.s32 $0x10  }
0x8f: {  	[smem:s2], [sflag:s13] =	dma.local [hbm:s0], $0x1  }
0x90: {  	_ =	swait.eq [sflag:s13], $0x1  }
0x91: {  	[sflag:s13] =	ssyncset.done $0x0  }
0x92: {  	s14 =	sld [smem:$0x10];
	[sflag:s13] =	ssyncadd.s32 $0xFFFFFFFF  }
0x93: {  	s15 =	sld [smem:$0x11];
	(tm) =	ssettm $0x1  }
0x94: {  	s16 =	sld [smem:$0x3FFB];
	_ =	sdelay $0x3  }
0x95: {  	_ =	strace s16  }
0x96: {  	s2 =	sld [smem:$0x3FFC];
	_ =	sdelay $0x3  }
0x97: {  	_ =	strace s2  }
0x98: {  	s2 =	sld [smem:$0x3FFD];
	_ =	sdelay $0x3  }
0x99: {  	_ =	strace s2  }
0x9a: {  	_ =	strace $0x8FFFFFFF  }
0x9b: {  	s17 =	sld [smem:$0x3FDB];
	_ =	sdelay $0x1  }
0x9c: {  	s3 =	simm.s32 $_scs_section_size  }
0x9d: {  	s4 =	simm.s32 $_size__tile_overlayer_lowered;
	s5 =	simm.s32 $_tile_overlayer_lowered  }
0x9e: {  	s20 =	simm.s32 $0x1BFF;
	s19 =	sshll.u32 s5, $0x1;
	s2 =	sadd.s32 s3, s17  }
0x9f: {  	s6 =	simm.s32 $0x0;
	s18 =	sshll.u32 s4, $0x1;
	s4 =	sadd.s32 s19, s2  }
0xa0: {  	[timem:s6], [sflag:s20] =	dma.local [hbm:s4], s18  }
0xa1: {  	_ =	swait.ge [sflag:s20], s18  }
0xa2: {  	s3 =	ssub.s32 $0x0, s18;
	[sflag:s20] =	ssyncset.done $0x0  }
0xa3: {  	[sflag:s20] =	ssyncadd.s32 s3;
	_ =	sdelay $0x1  }
0xa4: {  	s21 =	simm.s32 $0x1B8B  }
0xa5: {  	_ =	swait.ge [sflag:s21], $0x1  }
0xa6: {  	[sflag:s21] =	ssyncset.done $0x0  }
0xa7: {  	s23 =	simm.s32 $0x1B8E;
	s22 =	sld [smem:$0x3FFE];
	[sflag:s21] =	ssyncadd.s32 $0xFFFFFFFF  }
0xa8: {  	s24 =	simm.s32 $execute0_lowered;
	[smem:$0x3FD2] =	sst s23  }
0xa9: {  	s4 =	sshll.u32 s24, $0x1;
	_ =	strace $0x80000046;
	[dreg:$0x1] =	wrdreg $0xFFFFFFFF  }
0xaa: {  	s25 =	simm.s32 $_size_execute0_lowered;
	s2 =	sadd.s32 s2, s4;
	[dreg:$0x0] =	wrdreg $0x0  }
0xab: {  	s4 =	sshll.u32 s25, $0x1;
	[dreg:$0x2] =	wrdreg s2  }
0xac: {  	[dreg:$0x3] =	wrdreg s4  }
0xad: {  	[dreg:$0x4] =	wrdreg $0xC0  }
0xae: {  	_ =	task [dreg:s6], $0x5FFFF  }
0xaf: {  	[dreg:$0x1] =	wrdreg $0xFFFFFFFF  }
0xb0: {  	[dreg:$0x0] =	wrdreg $0x60  }
0xb1: {  	[dreg:$0x2] =	wrdreg s14  }
0xb2: {  	[dreg:$0x3] =	wrdreg s22  }
0xb3: {  	[dreg:$0x4] =	wrdreg s15  }
0xb4: {  	[dreg:$0x5] =	wrdreg $0x9  }
0xb5: {  	_ =	task.clear_ibuf [dreg:s6], $0x6FFFF;
	_ =	strace $0x90000046  }
0xb6: {  	s26 =	simm.s32 $0x9;
	_ =	strace $0x80000048  }
0xb7: {  	_ =	swait.ge [sflag:s26], $0x1  }
0xb8: {  	[sflag:s26] =	ssyncadd.s32 $0xFFFFFFFF  }
0xb9: {  	_ =	strace $0x90000048  }
0xba: {  	_ =	sfence  }
0xbb: {  	s28 =	sld [smem:$0x0];
	_ =	sdelay $0x1  }
0xbc: {  	s29 =	srdreg.scid  }
0xbd: {  	s30 =	sshll.u32 s29, $0xD;
	s31 =	sshrl.u32 s29, $0x2  }
0xbe: {  	s1 =	sand.u32 $0x1, s29;
	s2 =	sand.u32 $0x4000, s30;
	s0 =	sadd.s32 s31, s28  }
0xbf: {  	s1 =	sor.u32 s2, s1;
	s0 =	sshll.u32 s0, $0x11  }
0xc0: {  	s0 =	sor.u32 s0, s1  }
0xc1: {  	s0 =	sadd.s32 $0x8F2B, s0  }
0xc2: {  	[sflag:s0] =	ssyncadd.remote.s32 $0x1  }
0xc3: {  	_ =	sfence.sel $0xFFFF  }
0xc4: {  	[dreg:$0x0] =	wrdreg $0xFFFFFFFF;
	(pc) =	sbr.abs _section_cstart, $3  }
0xc5: {  	[dreg:$0x1] =	wrdreg $0xFFFFFFFF  }
0xc6: {  	_ =	task.clear_ibuf [dreg:s6], $0x2FFFF;
	_ =	strace $0x9FFFFFFF  }
0xc7: {  	(tm) =	ssettm $0x7FFFFFFF  }
tec
execute0_lowered:
.L_overlay_start_1:
0x0: {  	(tag) =	ssettag $0x1  }
0x1: {  	s4 =	rddreg [dreg:$0x0]  }
0x2: {  	s2 =	rddreg [dreg:$0x1]  }
0x3: {  	s1 =	rddreg [dreg:$0x2]  }
0x4: {  	s0 =	rddreg [dreg:$0x3];
	v0 =	vlaneseq.u32  }
0x5: {  	_ =	strace $0x80000047;
	s3 =	simm.s32 $0x0;
	s30 =	simm.s32 $0x1;
	v1 =	vor.u32 $0x10, v0  }
0x6: {  	[tilespmem:s3], [sflag:$0x1] =	stream.linear.gather [hbm4b:s4+s3], $0x200, $0x38;
	v2 =	vor.u32 $0x80, v0;
	[tilespmem:$0x300] =	vst v63  }
0x7: {  	v3 =	vor.u32 $0x90, v0;
	_ =	swait.ge [sflag:s30], $0x200  }
0x8: {  	v4 =	vor.u32 $0x100, v0;
	[sflag:s30] =	ssyncset.done $0x0  }
0x9: {  	v5 =	vor.u32 $0x110, v0;
	[sflag:s30] =	ssyncadd.s32 $0xFFFFFE00  }
0xa: {  	v6 =	vor.u32 $0x180, v0;
	v1 =	vld.idx.msk [tilespmem:v1+s3+$0x0], $0xffff  }
0xb: {  	v7 =	vor.u32 $0x190, v0;
	v2 =	vld.idx.msk [tilespmem:v2+s3+$0x0], $0xffff  }
0xc: {  	v3 =	vld.idx.msk [tilespmem:v3+s3+$0x0], $0xffff  }
0xd: {  	v8 =	vmul.u32 $0xFFFFFFFF, v0;
	v4 =	vld.idx.msk [tilespmem:v4+s3+$0x0], $0xffff  }
0xe: {  	v5 =	vld.idx.msk [tilespmem:v5+s3+$0x0], $0xffff  }
0xf: {  	v9 =	vadd.s32 $0xF333336F, v8;
	v6 =	vld.idx.msk [tilespmem:v6+s3+$0x0], $0xffff;
	v1 =	vshll.u32 v1, $0x7  }
0x10: {  	v33 =	vadd.s32 $0xF333335F, v8;
	v7 =	vld.idx.msk [tilespmem:v7+s3+$0x0], $0xffff;
	v2 =	vshll.u32 v2, $0x7;
	v1 =	vadd.s32 v9, v1  }
0x11: {  	v36 =	vadd.s32 $0xF333334F, v8;
	v35 =	vshll.u32 v3, $0x7;
	v34 =	vadd.s32 v33, v2;
	(xrf1) =	vsort.dscd.msk.u32 $0xffff, v1, v1  }
0x12: {  	v39 =	vadd.s32 $0xF333333F, v8;
	v38 =	vshll.u32 v4, $0x7;
	v37 =	vadd.s32 v36, v35;
	(xrf1) =	vsort.dscd.msk.u32 $0xffff, v34, v34  }
0x13: {  	v42 =	vadd.s32 $0xF333332F, v8;
	v41 =	vshll.u32 v5, $0x7;
	v40 =	vadd.s32 v39, v38;
	(xrf1) =	vsort.dscd.msk.u32 $0xffff, v37, v37  }
0x14: {  	v45 =	vadd.s32 $0xF333331F, v8;
	v44 =	vshll.u32 v6, $0x7;
	v43 =	vadd.s32 v42, v41;
	(xrf1) =	vsort.dscd.msk.u32 $0xffff, v40, v40  }
0x15: {  	v48 =	vadd.s32 $0xF333330F, v8;
	v47 =	vshll.u32 v7, $0x7;
	v46 =	vadd.s32 v45, v44;
	(xrf1) =	vsort.dscd.msk.u32 $0xffff, v43, v43  }
0x16: {  	v49 =	vadd.s32 v48, v47;
	(xrf1) =	vsort.dscd.msk.u32 $0xffff, v46, v46  }
0x17: {  	(xrf1) =	vsort.dscd.msk.u32 $0xffff, v49, v49;
	_ =	sdelay $0x7  }
0x18: {  	v50, _, _ =	vpop (xrf1)  }
0x19: {  	v51, _, _ =	vpop (xrf1)  }
0x1a: {  	v52, _, _ =	vpop (xrf1)  }
0x1b: {  	v53, _, _ =	vpop (xrf1)  }
0x1c: {  	v55 =	vadd.s32 $0xF, v8;
	v54, _, _ =	vpop (xrf1)  }
0x1d: {  	v3 =	vperm.xlane v52, v55;
	v56, _, _ =	vpop (xrf1)  }
0x1e: {  	v5 =	vperm.xlane v54, v55;
	v57, _, _ =	vpop (xrf1)  }
0x1f: {  	v2 =	vmax.u32 v51, v3;
	v58 =	vperm.xlane v57, v55  }
0x20: {  	(xrf1) =	vsort.dscd.msk.u32 $0xffff, v2, v2;
	v59 =	vmax.u32 v53, v5  }
0x21: {  	(xrf1) =	vsort.dscd.msk.u32 $0xffff, v59, v59;
	v60 =	vmax.u32 v56, v58  }
0x22: {  	(xrf1) =	vsort.dscd.msk.u32 $0xffff, v60, v60;
	_ =	sdelay $0xb  }
0x23: {  	v61, _, _ =	vpop (xrf1)  }
0x24: {  	v62, _, _ =	vpop (xrf1)  }
0x25: {  	v63, _, _ =	vpop (xrf1)  }
0x26: {  	v4 =	vperm.xlane v63, v55;
	_ =	sdelay $0x1  }
0x27: {  	v3 =	vmax.u32 v62, v4  }
0x28: {  	(xrf1) =	vsort.dscd.msk.u32 $0xffff, v3, v3;
	_ =	sdelay $0xb  }
0x29: {  	s31 =	stileid.u32;
	v0 =	vld.idx.msk [tilespmem:v0+s3+$0x0], $0xffff  }
0x2a: {  	p0 =	sne.s32 s31, $0x0  }
0x2b: {  	v4 =	vlaneseq.u32 @!p0;
	v3, _, _ =	vpop (xrf1)  }
0x2c: {  	v4 =	vmul.u32 @!p0 $0xFFFFFFFF, v4;
	_ =	sfence.sel @p0 $0x180000  }
0x2d: {  	[bflag:$0x0] =	sbarrier.arrive @p0 $0xFFFF  }
0x2e: {  	v0 =	vshll.u32 @!p0 v0, $0x7;
	v4 =	vadd.s32 @!p0 $0xF333337F, v4;
	_ =	strace @p0 $0x90000047  }
0x2f: {  	v0 =	vadd.s32 @!p0 v4, v0;
	[bflag:$0x2] =	sbarrier.arrive @p0 $0xFFFF  }
0x30: {  	(xrf1) =	vsort.dscd.msk.u32 @!p0 $0xffff, v0, v0;
	_ =	sdelay $0xc  }
0x31: {  	v0 =	vperm.xlane v50, v55  }
0x32: {  	v1, _, _ =	vpop @!p0 (xrf1)  }
0x33: {  	v0 =	vmax.u32 @!p0 v1, v0  }
0x34: {  	(xrf1) =	vsort.dscd.msk.u32 @!p0 $0xffff, v0, v0;
	_ =	sdelay $0xc  }
0x35: {  	v0 =	vperm.xlane v61, v55  }
0x36: {  	v1, _, _ =	vpop @!p0 (xrf1)  }
0x37: {  	v0 =	vmax.u32 @!p0 v1, v0  }
0x38: {  	(xrf1) =	vsort.dscd.msk.u32 @!p0 $0xffff, v0, v0;
	_ =	sdelay $0xc  }
0x39: {  	v0 =	vperm.xlane v3, v55  }
0x3a: {  	v1, _, _ =	vpop @!p0 (xrf1)  }
0x3b: {  	v0 =	vmax.u32 @!p0 v1, v0  }
0x3c: {  	(xrf1) =	vsort.dscd.msk.u32 @!p0 $0xffff, v0, v0;
	_ =	sdelay $0xd  }
0x3d: {  	v0, _, _ =	vpop @!p0 (xrf1)  }
0x3e: {  	v1 =	vandn.u32 @!p0 $0x7F, v0;
	v0 =	vshrl.u32 @!p0 v0, $0x7  }
0x3f: {  	v0 =	vadd.s32 @!p0 $0x3E19999A, v0;
	[tilespmem:$0x200] =	vst @!p0 v1  }
0x40: {  	s2 =	sadd.s32 $0xE00, s2;
	s4 =	simm.s32 @!p0 $0x200;
	s3 =	simm.s32 @!p0 $0x0;
	[tilespmem:$0x280] =	vst @!p0 v0  }
0x41: {  	[hbm4b:s2+s3] =	stream.linear.scatter @!p0 [tilespmem:s4], [sflag:$0x1], $0x80, $0x38;
	[tilespmem:$0x300] =	vst v63  }
0x42: {  	s2 =	simm.s32 @!p0 $0x1  }
0x43: {  	_ =	swait.ge @!p0 [sflag:s2], $0x80  }
0x44: {  	[sflag:s2] =	ssyncset.done @!p0 $0x0  }
0x45: {  	s4 =	simm.s32 @!p0 $0x280;
	[sflag:s2] =	ssyncadd.s32 @!p0 $0xFFFFFF80  }
0x46: {  	[hbm4b:s1+s3] =	stream.linear.scatter @!p0 [tilespmem:s4], [sflag:$0x1], $0x80, $0x38;
	[tilespmem:$0x300] =	vst v63  }
0x47: {  	_ =	swait.ge @!p0 [sflag:s2], $0x80  }
0x48: {  	[sflag:s2] =	ssyncset.done @!p0 $0x0  }
0x49: {  	[sflag:s2] =	ssyncadd.s32 @!p0 $0xFFFFFF80  }
0x4a: {  	_ =	sfence.sel @!p0 $0x180000  }
0x4b: {  	[bflag:$0x0] =	sbarrier.arrive @!p0 $0xFFFF  }
0x4c: {  	_ =	strace @!p0 $0x90000047  }
0x4d: {  	s0 =	sadd.s32 @!p0 $0x100000, s0;
	[bflag:$0x2] =	sbarrier.arrive @!p0 $0xFFFF  }
0x4e: {  	[sflag:s0] =	ssyncadd.tile.s32 @!p0 $0x1;
	_ =	shalt  }
.Lfunc_end2:
_tile_overlayer_lowered:
.L_overlay_start_2:
0x4f: {  	(tag) =	ssettag $0x2  }
0x50: {  	s0 =	rddreg [dreg:$0x0];
	s2 =	stileid.u32  }
0x51: {  	s1 =	rddreg [dreg:$0x1];
	p0 =	sne.s32 s2, $0x0  }
0x52: {  	s3 =	rddreg [dreg:$0x2];
	[bflag:$0x3] =	sbarrier.arrive $0xFFFF;
	s2 =	simm.s32 @!p0 $0x1C01  }
0x53: {  	[timem:s3], [sflag:s2] =	dma.local @!p0 [hbm:s0], s1  }
0x54: {  	s0 =	simm.s32 @!p0 $0x1  }
0x55: {  	_ =	swait.ge @!p0 [sflag:s0], s1  }
0x56: {  	s1 =	ssub.s32 @!p0 $0x0, s1;
	[sflag:s0] =	ssyncset.done @!p0 $0x0  }
0x57: {  	[sflag:s0] =	ssyncadd.s32 @!p0 s1  }
0x58: {  	[bflag:$0x3] =	sbarrier.arrive $0xFFFF  }
0x59: {  	_ =	shalt  }

</sc_bundles>
